<compile_context>
chip_gen: v7x
topology: tpu7x:2x2x1
jax: 0.10.2.dev20260603
libtpu: 0.0.44.dev20260713+nightly
codegen_flags: <defaults>
</compile_context>

<pallas_src>
import functools

import jax
import jax.numpy as jnp
from jax import lax
from jax.experimental import pallas as pl
from jax.experimental.pallas import tpu as pltpu
from jax.experimental.pallas import tpu_sc as plsc

_D = 64
_B = 16384
_NW = 32
_BPW = _B // _NW
_SB = 256
_NC = _SB // 128
_L = 16


def _make_kernel():
    mesh = plsc.VectorSubcoreMesh(core_axis_name="c", subcore_axis_name="s")

    @functools.partial(
        pl.kernel,
        out_type=jax.ShapeDtypeStruct((_B,), jnp.float32),
        mesh=mesh,
        compiler_params=pltpu.CompilerParams(needs_layout_passes=False),
        scratch_types=[
            pltpu.VMEM((_BPW,), jnp.int32),
            pltpu.VMEM((_BPW,), jnp.int32),
            pltpu.VMEM((_BPW,), jnp.int32),
            pltpu.VMEM((_SB, 128), jnp.float32),
            pltpu.VMEM((_SB, 128), jnp.float32),
            pltpu.VMEM((_SB, 128), jnp.float32),
            pltpu.VMEM((_BPW,), jnp.float32),
            pltpu.SemaphoreType.DMA,
        ],
    )
    def k(ent_hbm, heads_hbm, rels_hbm, tails_hbm, relt_hbm, out_hbm,
          hidx_v, ridx_v, tidx_v, h_v, r_v, t_v, out_v, sem):
        wid = lax.axis_index("s") * 2 + lax.axis_index("c")
        base = wid * _BPW
        pltpu.sync_copy(heads_hbm.at[pl.ds(base, _BPW)], hidx_v)
        pltpu.sync_copy(rels_hbm.at[pl.ds(base, _BPW)], ridx_v)
        pltpu.sync_copy(tails_hbm.at[pl.ds(base, _BPW)], tidx_v)

        lane = lax.iota(jnp.int32, _L)

        def half(sb, _):
            sb0 = sb * _SB
            cps = []
            for c in range(_NC):
                isl = pl.ds(sb0 + c * 128, 128)
                dsl = pl.ds(c * 128, 128)
                cps.append(pltpu.async_copy(
                    ent_hbm.at[hidx_v.at[isl]], h_v.at[dsl], sem))
                cps.append(pltpu.async_copy(
                    relt_hbm.at[ridx_v.at[isl]], r_v.at[dsl], sem))
                cps.append(pltpu.async_copy(
                    ent_hbm.at[tidx_v.at[isl]], t_v.at[dsl], sem))
            for cp in cps:
                cp.wait()

            def group(g, _):
                rows = g * _L + lane
                acc = jnp.zeros((_L,), jnp.float32)
                for d in range(_D):
                    col = jnp.full((_L,), d, jnp.int32)
                    acc = acc + (
                        plsc.load_gather(h_v, [rows, col])
                        * plsc.load_gather(r_v, [rows, col])
                        * plsc.load_gather(t_v, [rows, col]))
                out_v[pl.ds(sb0 + g * _L, _L)] = acc
                return 0

            lax.fori_loop(0, _SB // _L, group, 0)
            return 0

        lax.fori_loop(0, _BPW // _SB, half, 0)
        pltpu.sync_copy(out_v, out_hbm.at[pl.ds(base, _BPW)])

    return k


_kernel_call = _make_kernel()


def kernel(entity_emb, heads, relations, tails, rel_table):
    ent_pad = jnp.pad(entity_emb, ((0, 0), (0, 128 - _D)))
    rel_pad = jnp.pad(rel_table, ((0, 0), (0, 128 - _D)))
    return _kernel_call(
        ent_pad,
        heads.astype(jnp.int32),
        relations.astype(jnp.int32),
        tails.astype(jnp.int32),
        rel_pad,
    )

# --- scband reference (transcript-rebuilt; emitter-appended) ---
"""Pipeline reference for scband-dist-mult-decoder-85521388798379 (READ-ONLY COPY).

The authoritative reference and input builder live on the scoring server;
editing this copy changes nothing except your own understanding.
"""

import jax, jax.numpy as jnp
import numpy as np

NUM_ENTITIES = 1000000
NUM_RELATIONS = 1000
EMBED_DIM = 64
BATCH = 16384

def setup_inputs(seed: int = 0) -> dict:
    key = jax.random.key(seed)
    k1, k2, k3, k4, k5 = jax.random.split(key, 5)
    entity_emb = jax.random.normal(k1, (NUM_ENTITIES, EMBED_DIM), dtype=jnp.float32)
    heads = jax.random.randint(k2, (BATCH,), 0, NUM_ENTITIES, dtype=jnp.int64 if jax.config.jax_enable_x64 else jnp.int32)
    relations = jax.random.randint(k3, (BATCH,), 0, NUM_RELATIONS, dtype=jnp.int64 if jax.config.jax_enable_x64 else jnp.int32)
    tails = jax.random.randint(k4, (BATCH,), 0, NUM_ENTITIES, dtype=jnp.int64 if jax.config.jax_enable_x64 else jnp.int32)
    # relation embedding table (learned parameter), xavier_uniform init
    limit = float(np.sqrt(6.0 / (NUM_RELATIONS + EMBED_DIM)))
    rel_table = jax.random.uniform(k5, (NUM_RELATIONS, EMBED_DIM), minval=-limit, maxval=limit, dtype=jnp.float32)
    return {"entity_emb": entity_emb, "heads": heads, "relations": relations, "tails": tails, "rel_table": rel_table}

def reference(entity_emb, heads, relations, tails, rel_table):
    h = jnp.take(entity_emb, heads, axis=0)
    r = jnp.take(rel_table, relations, axis=0)
    t = jnp.take(entity_emb, tails, axis=0)
    return jnp.sum(h * r * t, axis=-1)

if __name__ == "__main__":
    import jax
    _d = setup_inputs()
    print(jax.jit(kernel)(*tuple(_d.values())))

</pallas_src>

<mosaic_0001>
#map = affine_map<(d0, d1) -> (0, 0)>
#map1 = affine_map<(d0, d1) -> (0)>
module attributes {stable_mosaic.version = 14 : i64} {
  func.func @k(%arg0: i32, %arg1: i32, %arg2: memref<1000000x128xf32, #tpu.memory_space<hbm>>, %arg3: memref<16384xi32, #tpu.memory_space<hbm>>, %arg4: memref<16384xi32, #tpu.memory_space<hbm>>, %arg5: memref<16384xi32, #tpu.memory_space<hbm>>, %arg6: memref<1000x128xf32, #tpu.memory_space<hbm>>, %arg7: memref<16384xf32, #tpu.memory_space<hbm>>, %arg8: memref<512xi32, #tpu.memory_space<vmem>>, %arg9: memref<512xi32, #tpu.memory_space<vmem>>, %arg10: memref<512xi32, #tpu.memory_space<vmem>>, %arg11: memref<256x128xf32, #tpu.memory_space<vmem>>, %arg12: memref<256x128xf32, #tpu.memory_space<vmem>>, %arg13: memref<256x128xf32, #tpu.memory_space<vmem>>, %arg14: memref<512xf32, #tpu.memory_space<vmem>>, %arg15: memref<!tpu.dma_semaphore, #tpu.memory_space<semaphore_mem>>) attributes {dimension_semantics = [#tpu.dimension_semantics<core_parallel>, #tpu.dimension_semantics<subcore_parallel>], iteration_bounds = array<i64: 2, 16>, scalar_prefetch = 0 : i64, scratch_operands = 8 : i64, tpu.core_type = #tpu.core_type<sc_vector_subcore>, window_params = [{transform_indices = #map}, {transform_indices = #map1}, {transform_indices = #map1}, {transform_indices = #map1}, {transform_indices = #map}, {transform_indices = #map1}]} {
    %mul3A = arith.constant 2 : i32
    %mul3A_0 = arith.muli %arg1, %mul3A : i32
    %add3A = arith.addi %mul3A_0, %arg0 : i32
    %mul3A_1 = arith.constant 512 : i32
    %mul3A_2 = arith.muli %add3A, %mul3A_1 : i32
    "tpu.region"() ({
      %run_scoped3A = tpu.sem_alloc : memref<!tpu.dma_semaphore, #tpu.memory_space<semaphore_mem>>
      %dma_start3A = tpu.memref_slice %arg3[%mul3A_2] : memref<16384xi32, #tpu.memory_space<hbm>> -> memref<512xi32, #tpu.memory_space<hbm>>
      %dma_start3A_9 = tpu.memref_slice %arg3[%mul3A_2] : memref<16384xi32, #tpu.memory_space<hbm>> -> memref<512xi32, #tpu.memory_space<hbm>>
      tpu.enqueue_dma source(%dma_start3A_9 : memref<512xi32, #tpu.memory_space<hbm>>) target(%arg8 : memref<512xi32, #tpu.memory_space<vmem>>) target_semaphore(%run_scoped3A : memref<!tpu.dma_semaphore, #tpu.memory_space<semaphore_mem>>)
      %dma_wait3A = tpu.memref_slice %arg3[%mul3A_2] : memref<16384xi32, #tpu.memory_space<hbm>> -> memref<512xi32, #tpu.memory_space<hbm>>
      %dma_wait3A_10 = tpu.memref_slice %arg3[%mul3A_2] : memref<16384xi32, #tpu.memory_space<hbm>> -> memref<512xi32, #tpu.memory_space<hbm>>
      tpu.wait_dma2 semaphore(%run_scoped3A : memref<!tpu.dma_semaphore, #tpu.memory_space<semaphore_mem>>) src(%dma_wait3A_10 : memref<512xi32, #tpu.memory_space<hbm>>) dst(%arg8 : memref<512xi32, #tpu.memory_space<vmem>>)
      tpu.yield
    }) : () -> ()
    "tpu.region"() ({
      %run_scoped3A = tpu.sem_alloc : memref<!tpu.dma_semaphore, #tpu.memory_space<semaphore_mem>>
      %dma_start3A = tpu.memref_slice %arg4[%mul3A_2] : memref<16384xi32, #tpu.memory_space<hbm>> -> memref<512xi32, #tpu.memory_space<hbm>>
      %dma_start3A_9 = tpu.memref_slice %arg4[%mul3A_2] : memref<16384xi32, #tpu.memory_space<hbm>> -> memref<512xi32, #tpu.memory_space<hbm>>
      tpu.enqueue_dma source(%dma_start3A_9 : memref<512xi32, #tpu.memory_space<hbm>>) target(%arg9 : memref<512xi32, #tpu.memory_space<vmem>>) target_semaphore(%run_scoped3A : memref<!tpu.dma_semaphore, #tpu.memory_space<semaphore_mem>>)
      %dma_wait3A = tpu.memref_slice %arg4[%mul3A_2] : memref<16384xi32, #tpu.memory_space<hbm>> -> memref<512xi32, #tpu.memory_space<hbm>>
      %dma_wait3A_10 = tpu.memref_slice %arg4[%mul3A_2] : memref<16384xi32, #tpu.memory_space<hbm>> -> memref<512xi32, #tpu.memory_space<hbm>>
      tpu.wait_dma2 semaphore(%run_scoped3A : memref<!tpu.dma_semaphore, #tpu.memory_space<semaphore_mem>>) src(%dma_wait3A_10 : memref<512xi32, #tpu.memory_space<hbm>>) dst(%arg9 : memref<512xi32, #tpu.memory_space<vmem>>)
      tpu.yield
    }) : () -> ()
    "tpu.region"() ({
      %run_scoped3A = tpu.sem_alloc : memref<!tpu.dma_semaphore, #tpu.memory_space<semaphore_mem>>
      %dma_start3A = tpu.memref_slice %arg5[%mul3A_2] : memref<16384xi32, #tpu.memory_space<hbm>> -> memref<512xi32, #tpu.memory_space<hbm>>
      %dma_start3A_9 = tpu.memref_slice %arg5[%mul3A_2] : memref<16384xi32, #tpu.memory_space<hbm>> -> memref<512xi32, #tpu.memory_space<hbm>>
      tpu.enqueue_dma source(%dma_start3A_9 : memref<512xi32, #tpu.memory_space<hbm>>) target(%arg10 : memref<512xi32, #tpu.memory_space<vmem>>) target_semaphore(%run_scoped3A : memref<!tpu.dma_semaphore, #tpu.memory_space<semaphore_mem>>)
      %dma_wait3A = tpu.memref_slice %arg5[%mul3A_2] : memref<16384xi32, #tpu.memory_space<hbm>> -> memref<512xi32, #tpu.memory_space<hbm>>
      %dma_wait3A_10 = tpu.memref_slice %arg5[%mul3A_2] : memref<16384xi32, #tpu.memory_space<hbm>> -> memref<512xi32, #tpu.memory_space<hbm>>
      tpu.wait_dma2 semaphore(%run_scoped3A : memref<!tpu.dma_semaphore, #tpu.memory_space<semaphore_mem>>) src(%dma_wait3A_10 : memref<512xi32, #tpu.memory_space<hbm>>) dst(%arg10 : memref<512xi32, #tpu.memory_space<vmem>>)
      tpu.yield
    }) : () -> ()
    %iota3A = tpu.iota {dimensions = array<i32: 0>} : vector<16xi32>
    %scan3A = arith.constant 0 : i32
    %scan3A_3 = arith.constant 0 : i32
    %scan3A_4 = arith.constant 2 : i32
    %scan3A_5 = arith.addi %scan3A_3, %scan3A_4 : i32
    %scan3A_6 = arith.constant 1 : i32
    %scan3A_7 = scf.for %scan3A_9 = %scan3A_3 to %scan3A_5 step %scan3A_6 iter_args(%scan3A_10 = %scan3A) -> (i32)  : i32 {
      %mul3A_11 = arith.constant 256 : i32
      %mul3A_12 = arith.muli %scan3A_9, %mul3A_11 : i32
      %add3A_13 = arith.constant 0 : i32
      %add3A_14 = arith.addi %mul3A_12, %add3A_13 : i32
      %dma_start3A = arith.constant 0 : i32
      %dma_start3A_15 = arith.constant 0 : i32
      %dma_start3A_16 = tpu.memref_slice %arg11[%dma_start3A, %dma_start3A_15] : memref<256x128xf32, #tpu.memory_space<vmem>> -> memref<128x128xf32, #tpu.memory_space<vmem>>
      %dma_start3A_17 = tpu.memref_slice %arg8[%add3A_14] : memref<512xi32, #tpu.memory_space<vmem>> -> memref<128xi32, #tpu.memory_space<vmem>>
      %dma_start3A_18 = arith.constant 0 : i32
      %dma_start3A_19 = arith.constant 0 : i32
      %dma_start3A_20 = tpu.memref_slice %arg2[%dma_start3A_18, %dma_start3A_19] : memref<1000000x128xf32, #tpu.memory_space<hbm>> -> memref<1000000x128xf32, #tpu.memory_space<hbm>>
      tpu.enqueue_indirect_dma source(%dma_start3A_20 : memref<1000000x128xf32, #tpu.memory_space<hbm>>) target(%dma_start3A_16 : memref<128x128xf32, #tpu.memory_space<vmem>>) offsets(%dma_start3A_17 : memref<128xi32, #tpu.memory_space<vmem>>) semaphore(%arg15 : memref<!tpu.dma_semaphore, #tpu.memory_space<semaphore_mem>>)
      %dma_start3A_21 = arith.constant 0 : i32
      %dma_start3A_22 = arith.constant 0 : i32
      %dma_start3A_23 = tpu.memref_slice %arg12[%dma_start3A_21, %dma_start3A_22] : memref<256x128xf32, #tpu.memory_space<vmem>> -> memref<128x128xf32, #tpu.memory_space<vmem>>
      %dma_start3A_24 = tpu.memref_slice %arg9[%add3A_14] : memref<512xi32, #tpu.memory_space<vmem>> -> memref<128xi32, #tpu.memory_space<vmem>>
      %dma_start3A_25 = arith.constant 0 : i32
      %dma_start3A_26 = arith.constant 0 : i32
      %dma_start3A_27 = tpu.memref_slice %arg6[%dma_start3A_25, %dma_start3A_26] : memref<1000x128xf32, #tpu.memory_space<hbm>> -> memref<1000x128xf32, #tpu.memory_space<hbm>>
      tpu.enqueue_indirect_dma source(%dma_start3A_27 : memref<1000x128xf32, #tpu.memory_space<hbm>>) target(%dma_start3A_23 : memref<128x128xf32, #tpu.memory_space<vmem>>) offsets(%dma_start3A_24 : memref<128xi32, #tpu.memory_space<vmem>>) semaphore(%arg15 : memref<!tpu.dma_semaphore, #tpu.memory_space<semaphore_mem>>)
      %dma_start3A_28 = arith.constant 0 : i32
      %dma_start3A_29 = arith.constant 0 : i32
      %dma_start3A_30 = tpu.memref_slice %arg13[%dma_start3A_28, %dma_start3A_29] : memref<256x128xf32, #tpu.memory_space<vmem>> -> memref<128x128xf32, #tpu.memory_space<vmem>>
      %dma_start3A_31 = tpu.memref_slice %arg10[%add3A_14] : memref<512xi32, #tpu.memory_space<vmem>> -> memref<128xi32, #tpu.memory_space<vmem>>
      %dma_start3A_32 = arith.constant 0 : i32
      %dma_start3A_33 = arith.constant 0 : i32
      %dma_start3A_34 = tpu.memref_slice %arg2[%dma_start3A_32, %dma_start3A_33] : memref<1000000x128xf32, #tpu.memory_space<hbm>> -> memref<1000000x128xf32, #tpu.memory_space<hbm>>
      tpu.enqueue_indirect_dma source(%dma_start3A_34 : memref<1000000x128xf32, #tpu.memory_space<hbm>>) target(%dma_start3A_30 : memref<128x128xf32, #tpu.memory_space<vmem>>) offsets(%dma_start3A_31 : memref<128xi32, #tpu.memory_space<vmem>>) semaphore(%arg15 : memref<!tpu.dma_semaphore, #tpu.memory_space<semaphore_mem>>)
      %add3A_35 = arith.constant 128 : i32
      %add3A_36 = arith.addi %mul3A_12, %add3A_35 : i32
      %dma_start3A_37 = arith.constant 128 : i32
      %dma_start3A_38 = arith.constant 0 : i32
      %dma_start3A_39 = tpu.memref_slice %arg11[%dma_start3A_37, %dma_start3A_38] : memref<256x128xf32, #tpu.memory_space<vmem>> -> memref<128x128xf32, #tpu.memory_space<vmem>>
      %dma_start3A_40 = tpu.memref_slice %arg8[%add3A_36] : memref<512xi32, #tpu.memory_space<vmem>> -> memref<128xi32, #tpu.memory_space<vmem>>
      %dma_start3A_41 = arith.constant 0 : i32
      %dma_start3A_42 = arith.constant 0 : i32
      %dma_start3A_43 = tpu.memref_slice %arg2[%dma_start3A_41, %dma_start3A_42] : memref<1000000x128xf32, #tpu.memory_space<hbm>> -> memref<1000000x128xf32, #tpu.memory_space<hbm>>
      tpu.enqueue_indirect_dma source(%dma_start3A_43 : memref<1000000x128xf32, #tpu.memory_space<hbm>>) target(%dma_start3A_39 : memref<128x128xf32, #tpu.memory_space<vmem>>) offsets(%dma_start3A_40 : memref<128xi32, #tpu.memory_space<vmem>>) semaphore(%arg15 : memref<!tpu.dma_semaphore, #tpu.memory_space<semaphore_mem>>)
      %dma_start3A_44 = arith.constant 128 : i32
      %dma_start3A_45 = arith.constant 0 : i32
      %dma_start3A_46 = tpu.memref_slice %arg12[%dma_start3A_44, %dma_start3A_45] : memref<256x128xf32, #tpu.memory_space<vmem>> -> memref<128x128xf32, #tpu.memory_space<vmem>>
      %dma_start3A_47 = tpu.memref_slice %arg9[%add3A_36] : memref<512xi32, #tpu.memory_space<vmem>> -> memref<128xi32, #tpu.memory_space<vmem>>
      %dma_start3A_48 = arith.constant 0 : i32
      %dma_start3A_49 = arith.constant 0 : i32
      %dma_start3A_50 = tpu.memref_slice %arg6[%dma_start3A_48, %dma_start3A_49] : memref<1000x128xf32, #tpu.memory_space<hbm>> -> memref<1000x128xf32, #tpu.memory_space<hbm>>
      tpu.enqueue_indirect_dma source(%dma_start3A_50 : memref<1000x128xf32, #tpu.memory_space<hbm>>) target(%dma_start3A_46 : memref<128x128xf32, #tpu.memory_space<vmem>>) offsets(%dma_start3A_47 : memref<128xi32, #tpu.memory_space<vmem>>) semaphore(%arg15 : memref<!tpu.dma_semaphore, #tpu.memory_space<semaphore_mem>>)
      %dma_start3A_51 = arith.constant 128 : i32
      %dma_start3A_52 = arith.constant 0 : i32
      %dma_start3A_53 = tpu.memref_slice %arg13[%dma_start3A_51, %dma_start3A_52] : memref<256x128xf32, #tpu.memory_space<vmem>> -> memref<128x128xf32, #tpu.memory_space<vmem>>
      %dma_start3A_54 = tpu.memref_slice %arg10[%add3A_36] : memref<512xi32, #tpu.memory_space<vmem>> -> memref<128xi32, #tpu.memory_space<vmem>>
      %dma_start3A_55 = arith.constant 0 : i32
      %dma_start3A_56 = arith.constant 0 : i32
      %dma_start3A_57 = tpu.memref_slice %arg2[%dma_start3A_55, %dma_start3A_56] : memref<1000000x128xf32, #tpu.memory_space<hbm>> -> memref<1000000x128xf32, #tpu.memory_space<hbm>>
      tpu.enqueue_indirect_dma source(%dma_start3A_57 : memref<1000000x128xf32, #tpu.memory_space<hbm>>) target(%dma_start3A_53 : memref<128x128xf32, #tpu.memory_space<vmem>>) offsets(%dma_start3A_54 : memref<128xi32, #tpu.memory_space<vmem>>) semaphore(%arg15 : memref<!tpu.dma_semaphore, #tpu.memory_space<semaphore_mem>>)
      %dma_wait3A = arith.constant 0 : i32
      %dma_wait3A_58 = arith.constant 0 : i32
      %dma_wait3A_59 = tpu.memref_slice %arg11[%dma_wait3A, %dma_wait3A_58] : memref<256x128xf32, #tpu.memory_space<vmem>> -> memref<128x128xf32, #tpu.memory_space<vmem>>
      %dma_wait3A_60 = tpu.memref_slice %arg8[%add3A_14] : memref<512xi32, #tpu.memory_space<vmem>> -> memref<128xi32, #tpu.memory_space<vmem>>
      %dma_wait3A_61 = arith.constant 0 : i32
      %dma_wait3A_62 = arith.constant 0 : i32
      %dma_wait3A_63 = tpu.memref_slice %arg2[%dma_wait3A_61, %dma_wait3A_62] : memref<1000000x128xf32, #tpu.memory_space<hbm>> -> memref<1000000x128xf32, #tpu.memory_space<hbm>>
      tpu.wait_indirect_dma semaphore(%arg15 : memref<!tpu.dma_semaphore, #tpu.memory_space<semaphore_mem>>) src(%dma_wait3A_63 : memref<1000000x128xf32, #tpu.memory_space<hbm>>) dst(%dma_wait3A_59 : memref<128x128xf32, #tpu.memory_space<vmem>>)
      %dma_wait3A_64 = arith.constant 0 : i32
      %dma_wait3A_65 = arith.constant 0 : i32
      %dma_wait3A_66 = tpu.memref_slice %arg12[%dma_wait3A_64, %dma_wait3A_65] : memref<256x128xf32, #tpu.memory_space<vmem>> -> memref<128x128xf32, #tpu.memory_space<vmem>>
      %dma_wait3A_67 = tpu.memref_slice %arg9[%add3A_14] : memref<512xi32, #tpu.memory_space<vmem>> -> memref<128xi32, #tpu.memory_space<vmem>>
      %dma_wait3A_68 = arith.constant 0 : i32
      %dma_wait3A_69 = arith.constant 0 : i32
      %dma_wait3A_70 = tpu.memref_slice %arg6[%dma_wait3A_68, %dma_wait3A_69] : memref<1000x128xf32, #tpu.memory_space<hbm>> -> memref<1000x128xf32, #tpu.memory_space<hbm>>
      tpu.wait_indirect_dma semaphore(%arg15 : memref<!tpu.dma_semaphore, #tpu.memory_space<semaphore_mem>>) src(%dma_wait3A_70 : memref<1000x128xf32, #tpu.memory_space<hbm>>) dst(%dma_wait3A_66 : memref<128x128xf32, #tpu.memory_space<vmem>>)
      %dma_wait3A_71 = arith.constant 0 : i32
      %dma_wait3A_72 = arith.constant 0 : i32
      %dma_wait3A_73 = tpu.memref_slice %arg13[%dma_wait3A_71, %dma_wait3A_72] : memref<256x128xf32, #tpu.memory_space<vmem>> -> memref<128x128xf32, #tpu.memory_space<vmem>>
      %dma_wait3A_74 = tpu.memref_slice %arg10[%add3A_14] : memref<512xi32, #tpu.memory_space<vmem>> -> memref<128xi32, #tpu.memory_space<vmem>>
      %dma_wait3A_75 = arith.constant 0 : i32
      %dma_wait3A_76 = arith.constant 0 : i32
      %dma_wait3A_77 = tpu.memref_slice %arg2[%dma_wait3A_75, %dma_wait3A_76] : memref<1000000x128xf32, #tpu.memory_space<hbm>> -> memref<1000000x128xf32, #tpu.memory_space<hbm>>
      tpu.wait_indirect_dma semaphore(%arg15 : memref<!tpu.dma_semaphore, #tpu.memory_space<semaphore_mem>>) src(%dma_wait3A_77 : memref<1000000x128xf32, #tpu.memory_space<hbm>>) dst(%dma_wait3A_73 : memref<128x128xf32, #tpu.memory_space<vmem>>)
      %dma_wait3A_78 = arith.constant 128 : i32
      %dma_wait3A_79 = arith.constant 0 : i32
      %dma_wait3A_80 = tpu.memref_slice %arg11[%dma_wait3A_78, %dma_wait3A_79] : memref<256x128xf32, #tpu.memory_space<vmem>> -> memref<128x128xf32, #tpu.memory_space<vmem>>
      %dma_wait3A_81 = tpu.memref_slice %arg8[%add3A_36] : memref<512xi32, #tpu.memory_space<vmem>> -> memref<128xi32, #tpu.memory_space<vmem>>
      %dma_wait3A_82 = arith.constant 0 : i32
      %dma_wait3A_83 = arith.constant 0 : i32
      %dma_wait3A_84 = tpu.memref_slice %arg2[%dma_wait3A_82, %dma_wait3A_83] : memref<1000000x128xf32, #tpu.memory_space<hbm>> -> memref<1000000x128xf32, #tpu.memory_space<hbm>>
      tpu.wait_indirect_dma semaphore(%arg15 : memref<!tpu.dma_semaphore, #tpu.memory_space<semaphore_mem>>) src(%dma_wait3A_84 : memref<1000000x128xf32, #tpu.memory_space<hbm>>) dst(%dma_wait3A_80 : memref<128x128xf32, #tpu.memory_space<vmem>>)
      %dma_wait3A_85 = arith.constant 128 : i32
      %dma_wait3A_86 = arith.constant 0 : i32
      %dma_wait3A_87 = tpu.memref_slice %arg12[%dma_wait3A_85, %dma_wait3A_86] : memref<256x128xf32, #tpu.memory_space<vmem>> -> memref<128x128xf32, #tpu.memory_space<vmem>>
      %dma_wait3A_88 = tpu.memref_slice %arg9[%add3A_36] : memref<512xi32, #tpu.memory_space<vmem>> -> memref<128xi32, #tpu.memory_space<vmem>>
      %dma_wait3A_89 = arith.constant 0 : i32
      %dma_wait3A_90 = arith.constant 0 : i32
      %dma_wait3A_91 = tpu.memref_slice %arg6[%dma_wait3A_89, %dma_wait3A_90] : memref<1000x128xf32, #tpu.memory_space<hbm>> -> memref<1000x128xf32, #tpu.memory_space<hbm>>
      tpu.wait_indirect_dma semaphore(%arg15 : memref<!tpu.dma_semaphore, #tpu.memory_space<semaphore_mem>>) src(%dma_wait3A_91 : memref<1000x128xf32, #tpu.memory_space<hbm>>) dst(%dma_wait3A_87 : memref<128x128xf32, #tpu.memory_space<vmem>>)
      %dma_wait3A_92 = arith.constant 128 : i32
      %dma_wait3A_93 = arith.constant 0 : i32
      %dma_wait3A_94 = tpu.memref_slice %arg13[%dma_wait3A_92, %dma_wait3A_93] : memref<256x128xf32, #tpu.memory_space<vmem>> -> memref<128x128xf32, #tpu.memory_space<vmem>>
      %dma_wait3A_95 = tpu.memref_slice %arg10[%add3A_36] : memref<512xi32, #tpu.memory_space<vmem>> -> memref<128xi32, #tpu.memory_space<vmem>>
      %dma_wait3A_96 = arith.constant 0 : i32
      %dma_wait3A_97 = arith.constant 0 : i32
      %dma_wait3A_98 = tpu.memref_slice %arg2[%dma_wait3A_96, %dma_wait3A_97] : memref<1000000x128xf32, #tpu.memory_space<hbm>> -> memref<1000000x128xf32, #tpu.memory_space<hbm>>
      tpu.wait_indirect_dma semaphore(%arg15 : memref<!tpu.dma_semaphore, #tpu.memory_space<semaphore_mem>>) src(%dma_wait3A_98 : memref<1000000x128xf32, #tpu.memory_space<hbm>>) dst(%dma_wait3A_94 : memref<128x128xf32, #tpu.memory_space<vmem>>)
      %scan3A_99 = arith.constant 0 : i32
      %scan3A_100 = arith.constant 0 : i32
      %scan3A_101 = arith.constant 16 : i32
      %scan3A_102 = arith.addi %scan3A_100, %scan3A_101 : i32
      %scan3A_103 = arith.constant 1 : i32
      %scan3A_104 = scf.for %scan3A_107 = %scan3A_100 to %scan3A_102 step %scan3A_103 iter_args(%scan3A_108 = %scan3A_99) -> (i32)  : i32 {
        %mul3A_109 = arith.constant 16 : i32
        %mul3A_110 = arith.muli %scan3A_107, %mul3A_109 : i32
        %add3A_111 = vector.broadcast %mul3A_110 : i32 to vector<16xi32>
        %add3A_112 = arith.addi %add3A_111, %iota3A : vector<16xi32>
        %broadcast_in_dim3A = arith.constant 0.000000e+00 : f32
        %broadcast_in_dim3A_113 = vector.broadcast %broadcast_in_dim3A : f32 to vector<16xf32>
        %broadcast_in_dim3A_114 = arith.constant 0 : i32
        %broadcast_in_dim3A_115 = vector.broadcast %broadcast_in_dim3A_114 : i32 to vector<16xi32>
        %gather3A = tpu.vector_load_idx %arg11[%add3A_112, %broadcast_in_dim3A_115] : memref<256x128xf32, #tpu.memory_space<vmem>>[vector<16xi32>, vector<16xi32>], vector<16xf32>,
        %gather3A_116 = tpu.vector_load_idx %arg12[%add3A_112, %broadcast_in_dim3A_115] : memref<256x128xf32, #tpu.memory_space<vmem>>[vector<16xi32>, vector<16xi32>], vector<16xf32>,
        %mul3A_117 = arith.mulf %gather3A, %gather3A_116 : vector<16xf32>
        %gather3A_118 = tpu.vector_load_idx %arg13[%add3A_112, %broadcast_in_dim3A_115] : memref<256x128xf32, #tpu.memory_space<vmem>>[vector<16xi32>, vector<16xi32>], vector<16xf32>,
        %mul3A_119 = arith.mulf %mul3A_117, %gather3A_118 : vector<16xf32>
        %add3A_120 = arith.addf %broadcast_in_dim3A_113, %mul3A_119 : vector<16xf32>
        %broadcast_in_dim3A_121 = arith.constant 1 : i32
        %broadcast_in_dim3A_122 = vector.broadcast %broadcast_in_dim3A_121 : i32 to vector<16xi32>
        %gather3A_123 = tpu.vector_load_idx %arg11[%add3A_112, %broadcast_in_dim3A_122] : memref<256x128xf32, #tpu.memory_space<vmem>>[vector<16xi32>, vector<16xi32>], vector<16xf32>,
        %gather3A_124 = tpu.vector_load_idx %arg12[%add3A_112, %broadcast_in_dim3A_122] : memref<256x128xf32, #tpu.memory_space<vmem>>[vector<16xi32>, vector<16xi32>], vector<16xf32>,
        %mul3A_125 = arith.mulf %gather3A_123, %gather3A_124 : vector<16xf32>
        %gather3A_126 = tpu.vector_load_idx %arg13[%add3A_112, %broadcast_in_dim3A_122] : memref<256x128xf32, #tpu.memory_space<vmem>>[vector<16xi32>, vector<16xi32>], vector<16xf32>,
        %mul3A_127 = arith.mulf %mul3A_125, %gather3A_126 : vector<16xf32>
        %add3A_128 = arith.addf %add3A_120, %mul3A_127 : vector<16xf32>
        %broadcast_in_dim3A_129 = arith.constant 2 : i32
        %broadcast_in_dim3A_130 = vector.broadcast %broadcast_in_dim3A_129 : i32 to vector<16xi32>
        %gather3A_131 = tpu.vector_load_idx %arg11[%add3A_112, %broadcast_in_dim3A_130] : memref<256x128xf32, #tpu.memory_space<vmem>>[vector<16xi32>, vector<16xi32>], vector<16xf32>,
        %gather3A_132 = tpu.vector_load_idx %arg12[%add3A_112, %broadcast_in_dim3A_130] : memref<256x128xf32, #tpu.memory_space<vmem>>[vector<16xi32>, vector<16xi32>], vector<16xf32>,
        %mul3A_133 = arith.mulf %gather3A_131, %gather3A_132 : vector<16xf32>
        %gather3A_134 = tpu.vector_load_idx %arg13[%add3A_112, %broadcast_in_dim3A_130] : memref<256x128xf32, #tpu.memory_space<vmem>>[vector<16xi32>, vector<16xi32>], vector<16xf32>,
        %mul3A_135 = arith.mulf %mul3A_133, %gather3A_134 : vector<16xf32>
        %add3A_136 = arith.addf %add3A_128, %mul3A_135 : vector<16xf32>
        %broadcast_in_dim3A_137 = arith.constant 3 : i32
        %broadcast_in_dim3A_138 = vector.broadcast %broadcast_in_dim3A_137 : i32 to vector<16xi32>
        %gather3A_139 = tpu.vector_load_idx %arg11[%add3A_112, %broadcast_in_dim3A_138] : memref<256x128xf32, #tpu.memory_space<vmem>>[vector<16xi32>, vector<16xi32>], vector<16xf32>,
        %gather3A_140 = tpu.vector_load_idx %arg12[%add3A_112, %broadcast_in_dim3A_138] : memref<256x128xf32, #tpu.memory_space<vmem>>[vector<16xi32>, vector<16xi32>], vector<16xf32>,
        %mul3A_141 = arith.mulf %gather3A_139, %gather3A_140 : vector<16xf32>
        %gather3A_142 = tpu.vector_load_idx %arg13[%add3A_112, %broadcast_in_dim3A_138] : memref<256x128xf32, #tpu.memory_space<vmem>>[vector<16xi32>, vector<16xi32>], vector<16xf32>,
        %mul3A_143 = arith.mulf %mul3A_141, %gather3A_142 : vector<16xf32>
        %add3A_144 = arith.addf %add3A_136, %mul3A_143 : vector<16xf32>
        %broadcast_in_dim3A_145 = arith.constant 4 : i32
        %broadcast_in_dim3A_146 = vector.broadcast %broadcast_in_dim3A_145 : i32 to vector<16xi32>
        %gather3A_147 = tpu.vector_load_idx %arg11[%add3A_112, %broadcast_in_dim3A_146] : memref<256x128xf32, #tpu.memory_space<vmem>>[vector<16xi32>, vector<16xi32>], vector<16xf32>,
        %gather3A_148 = tpu.vector_load_idx %arg12[%add3A_112, %broadcast_in_dim3A_146] : memref<256x128xf32, #tpu.memory_space<vmem>>[vector<16xi32>, vector<16xi32>], vector<16xf32>,
        %mul3A_149 = arith.mulf %gather3A_147, %gather3A_148 : vector<16xf32>
        %gather3A_150 = tpu.vector_load_idx %arg13[%add3A_112, %broadcast_in_dim3A_146] : memref<256x128xf32, #tpu.memory_space<vmem>>[vector<16xi32>, vector<16xi32>], vector<16xf32>,
        %mul3A_151 = arith.mulf %mul3A_149, %gather3A_150 : vector<16xf32>
        %add3A_152 = arith.addf %add3A_144, %mul3A_151 : vector<16xf32>
        %broadcast_in_dim3A_153 = arith.constant 5 : i32
        %broadcast_in_dim3A_154 = vector.broadcast %broadcast_in_dim3A_153 : i32 to vector<16xi32>
        %gather3A_155 = tpu.vector_load_idx %arg11[%add3A_112, %broadcast_in_dim3A_154] : memref<256x128xf32, #tpu.memory_space<vmem>>[vector<16xi32>, vector<16xi32>], vector<16xf32>,
        %gather3A_156 = tpu.vector_load_idx %arg12[%add3A_112, %broadcast_in_dim3A_154] : memref<256x128xf32, #tpu.memory_space<vmem>>[vector<16xi32>, vector<16xi32>], vector<16xf32>,
        %mul3A_157 = arith.mulf %gather3A_155, %gather3A_156 : vector<16xf32>
        %gather3A_158 = tpu.vector_load_idx %arg13[%add3A_112, %broadcast_in_dim3A_154] : memref<256x128xf32, #tpu.memory_space<vmem>>[vector<16xi32>, vector<16xi32>], vector<16xf32>,
        %mul3A_159 = arith.mulf %mul3A_157, %gather3A_158 : vector<16xf32>
        %add3A_160 = arith.addf %add3A_152, %mul3A_159 : vector<16xf32>
        %broadcast_in_dim3A_161 = arith.constant 6 : i32
        %broadcast_in_dim3A_162 = vector.broadcast %broadcast_in_dim3A_161 : i32 to vector<16xi32>
        %gather3A_163 = tpu.vector_load_idx %arg11[%add3A_112, %broadcast_in_dim3A_162] : memref<256x128xf32, #tpu.memory_space<vmem>>[vector<16xi32>, vector<16xi32>], vector<16xf32>,
        %gather3A_164 = tpu.vector_load_idx %arg12[%add3A_112, %broadcast_in_dim3A_162] : memref<256x128xf32, #tpu.memory_space<vmem>>[vector<16xi32>, vector<16xi32>], vector<16xf32>,
        %mul3A_165 = arith.mulf %gather3A_163, %gather3A_164 : vector<16xf32>
        %gather3A_166 = tpu.vector_load_idx %arg13[%add3A_112, %broadcast_in_dim3A_162] : memref<256x128xf32, #tpu.memory_space<vmem>>[vector<16xi32>, vector<16xi32>], vector<16xf32>,
        %mul3A_167 = arith.mulf %mul3A_165, %gather3A_166 : vector<16xf32>
        %add3A_168 = arith.addf %add3A_160, %mul3A_167 : vector<16xf32>
        %broadcast_in_dim3A_169 = arith.constant 7 : i32
        %broadcast_in_dim3A_170 = vector.broadcast %broadcast_in_dim3A_169 : i32 to vector<16xi32>
        %gather3A_171 = tpu.vector_load_idx %arg11[%add3A_112, %broadcast_in_dim3A_170] : memref<256x128xf32, #tpu.memory_space<vmem>>[vector<16xi32>, vector<16xi32>], vector<16xf32>,
        %gather3A_172 = tpu.vector_load_idx %arg12[%add3A_112, %broadcast_in_dim3A_170] : memref<256x128xf32, #tpu.memory_space<vmem>>[vector<16xi32>, vector<16xi32>], vector<16xf32>,
        %mul3A_173 = arith.mulf %gather3A_171, %gather3A_172 : vector<16xf32>
        %gather3A_174 = tpu.vector_load_idx %arg13[%add3A_112, %broadcast_in_dim3A_170] : memref<256x128xf32, #tpu.memory_space<vmem>>[vector<16xi32>, vector<16xi32>], vector<16xf32>,
        %mul3A_175 = arith.mulf %mul3A_173, %gather3A_174 : vector<16xf32>
        %add3A_176 = arith.addf %add3A_168, %mul3A_175 : vector<16xf32>
        %broadcast_in_dim3A_177 = arith.constant 8 : i32
        %broadcast_in_dim3A_178 = vector.broadcast %broadcast_in_dim3A_177 : i32 to vector<16xi32>
        %gather3A_179 = tpu.vector_load_idx %arg11[%add3A_112, %broadcast_in_dim3A_178] : memref<256x128xf32, #tpu.memory_space<vmem>>[vector<16xi32>, vector<16xi32>], vector<16xf32>,
        %gather3A_180 = tpu.vector_load_idx %arg12[%add3A_112, %broadcast_in_dim3A_178] : memref<256x128xf32, #tpu.memory_space<vmem>>[vector<16xi32>, vector<16xi32>], vector<16xf32>,
        %mul3A_181 = arith.mulf %gather3A_179, %gather3A_180 : vector<16xf32>
        %gather3A_182 = tpu.vector_load_idx %arg13[%add3A_112, %broadcast_in_dim3A_178] : memref<256x128xf32, #tpu.memory_space<vmem>>[vector<16xi32>, vector<16xi32>], vector<16xf32>,
        %mul3A_183 = arith.mulf %mul3A_181, %gather3A_182 : vector<16xf32>
        %add3A_184 = arith.addf %add3A_176, %mul3A_183 : vector<16xf32>
        %broadcast_in_dim3A_185 = arith.constant 9 : i32
        %broadcast_in_dim3A_186 = vector.broadcast %broadcast_in_dim3A_185 : i32 to vector<16xi32>
        %gather3A_187 = tpu.vector_load_idx %arg11[%add3A_112, %broadcast_in_dim3A_186] : memref<256x128xf32, #tpu.memory_space<vmem>>[vector<16xi32>, vector<16xi32>], vector<16xf32>,
        %gather3A_188 = tpu.vector_load_idx %arg12[%add3A_112, %broadcast_in_dim3A_186] : memref<256x128xf32, #tpu.memory_space<vmem>>[vector<16xi32>, vector<16xi32>], vector<16xf32>,
        %mul3A_189 = arith.mulf %gather3A_187, %gather3A_188 : vector<16xf32>
        %gather3A_190 = tpu.vector_load_idx %arg13[%add3A_112, %broadcast_in_dim3A_186] : memref<256x128xf32, #tpu.memory_space<vmem>>[vector<16xi32>, vector<16xi32>], vector<16xf32>,
        %mul3A_191 = arith.mulf %mul3A_189, %gather3A_190 : vector<16xf32>
        %add3A_192 = arith.addf %add3A_184, %mul3A_191 : vector<16xf32>
        %broadcast_in_dim3A_193 = arith.constant 10 : i32
        %broadcast_in_dim3A_194 = vector.broadcast %broadcast_in_dim3A_193 : i32 to vector<16xi32>
        %gather3A_195 = tpu.vector_load_idx %arg11[%add3A_112, %broadcast_in_dim3A_194] : memref<256x128xf32, #tpu.memory_space<vmem>>[vector<16xi32>, vector<16xi32>], vector<16xf32>,
        %gather3A_196 = tpu.vector_load_idx %arg12[%add3A_112, %broadcast_in_dim3A_194] : memref<256x128xf32, #tpu.memory_space<vmem>>[vector<16xi32>, vector<16xi32>], vector<16xf32>,
        %mul3A_197 = arith.mulf %gather3A_195, %gather3A_196 : vector<16xf32>
        %gather3A_198 = tpu.vector_load_idx %arg13[%add3A_112, %broadcast_in_dim3A_194] : memref<256x128xf32, #tpu.memory_space<vmem>>[vector<16xi32>, vector<16xi32>], vector<16xf32>,
        %mul3A_199 = arith.mulf %mul3A_197, %gather3A_198 : vector<16xf32>
        %add3A_200 = arith.addf %add3A_192, %mul3A_199 : vector<16xf32>
        %broadcast_in_dim3A_201 = arith.constant 11 : i32
        %broadcast_in_dim3A_202 = vector.broadcast %broadcast_in_dim3A_201 : i32 to vector<16xi32>
        %gather3A_203 = tpu.vector_load_idx %arg11[%add3A_112, %broadcast_in_dim3A_202] : memref<256x128xf32, #tpu.memory_space<vmem>>[vector<16xi32>, vector<16xi32>], vector<16xf32>,
        %gather3A_204 = tpu.vector_load_idx %arg12[%add3A_112, %broadcast_in_dim3A_202] : memref<256x128xf32, #tpu.memory_space<vmem>>[vector<16xi32>, vector<16xi32>], vector<16xf32>,
        %mul3A_205 = arith.mulf %gather3A_203, %gather3A_204 : vector<16xf32>
        %gather3A_206 = tpu.vector_load_idx %arg13[%add3A_112, %broadcast_in_dim3A_202] : memref<256x128xf32, #tpu.memory_space<vmem>>[vector<16xi32>, vector<16xi32>], vector<16xf32>,
        %mul3A_207 = arith.mulf %mul3A_205, %gather3A_206 : vector<16xf32>
        %add3A_208 = arith.addf %add3A_200, %mul3A_207 : vector<16xf32>
        %broadcast_in_dim3A_209 = arith.constant 12 : i32
        %broadcast_in_dim3A_210 = vector.broadcast %broadcast_in_dim3A_209 : i32 to vector<16xi32>
        %gather3A_211 = tpu.vector_load_idx %arg11[%add3A_112, %broadcast_in_dim3A_210] : memref<256x128xf32, #tpu.memory_space<vmem>>[vector<16xi32>, vector<16xi32>], vector<16xf32>,
        %gather3A_212 = tpu.vector_load_idx %arg12[%add3A_112, %broadcast_in_dim3A_210] : memref<256x128xf32, #tpu.memory_space<vmem>>[vector<16xi32>, vector<16xi32>], vector<16xf32>,
        %mul3A_213 = arith.mulf %gather3A_211, %gather3A_212 : vector<16xf32>
        %gather3A_214 = tpu.vector_load_idx %arg13[%add3A_112, %broadcast_in_dim3A_210] : memref<256x128xf32, #tpu.memory_space<vmem>>[vector<16xi32>, vector<16xi32>], vector<16xf32>,
        %mul3A_215 = arith.mulf %mul3A_213, %gather3A_214 : vector<16xf32>
        %add3A_216 = arith.addf %add3A_208, %mul3A_215 : vector<16xf32>
        %broadcast_in_dim3A_217 = arith.constant 13 : i32
        %broadcast_in_dim3A_218 = vector.broadcast %broadcast_in_dim3A_217 : i32 to vector<16xi32>
        %gather3A_219 = tpu.vector_load_idx %arg11[%add3A_112, %broadcast_in_dim3A_218] : memref<256x128xf32, #tpu.memory_space<vmem>>[vector<16xi32>, vector<16xi32>], vector<16xf32>,
        %gather3A_220 = tpu.vector_load_idx %arg12[%add3A_112, %broadcast_in_dim3A_218] : memref<256x128xf32, #tpu.memory_space<vmem>>[vector<16xi32>, vector<16xi32>], vector<16xf32>,
        %mul3A_221 = arith.mulf %gather3A_219, %gather3A_220 : vector<16xf32>
        %gather3A_222 = tpu.vector_load_idx %arg13[%add3A_112, %broadcast_in_dim3A_218] : memref<256x128xf32, #tpu.memory_space<vmem>>[vector<16xi32>, vector<16xi32>], vector<16xf32>,
        %mul3A_223 = arith.mulf %mul3A_221, %gather3A_222 : vector<16xf32>
        %add3A_224 = arith.addf %add3A_216, %mul3A_223 : vector<16xf32>
        %broadcast_in_dim3A_225 = arith.constant 14 : i32
        %broadcast_in_dim3A_226 = vector.broadcast %broadcast_in_dim3A_225 : i32 to vector<16xi32>
        %gather3A_227 = tpu.vector_load_idx %arg11[%add3A_112, %broadcast_in_dim3A_226] : memref<256x128xf32, #tpu.memory_space<vmem>>[vector<16xi32>, vector<16xi32>], vector<16xf32>,
        %gather3A_228 = tpu.vector_load_idx %arg12[%add3A_112, %broadcast_in_dim3A_226] : memref<256x128xf32, #tpu.memory_space<vmem>>[vector<16xi32>, vector<16xi32>], vector<16xf32>,
        %mul3A_229 = arith.mulf %gather3A_227, %gather3A_228 : vector<16xf32>
        %gather3A_230 = tpu.vector_load_idx %arg13[%add3A_112, %broadcast_in_dim3A_226] : memref<256x128xf32, #tpu.memory_space<vmem>>[vector<16xi32>, vector<16xi32>], vector<16xf32>,
        %mul3A_231 = arith.mulf %mul3A_229, %gather3A_230 : vector<16xf32>
        %add3A_232 = arith.addf %add3A_224, %mul3A_231 : vector<16xf32>
        %broadcast_in_dim3A_233 = arith.constant 15 : i32
        %broadcast_in_dim3A_234 = vector.broadcast %broadcast_in_dim3A_233 : i32 to vector<16xi32>
        %gather3A_235 = tpu.vector_load_idx %arg11[%add3A_112, %broadcast_in_dim3A_234] : memref<256x128xf32, #tpu.memory_space<vmem>>[vector<16xi32>, vector<16xi32>], vector<16xf32>,
        %gather3A_236 = tpu.vector_load_idx %arg12[%add3A_112, %broadcast_in_dim3A_234] : memref<256x128xf32, #tpu.memory_space<vmem>>[vector<16xi32>, vector<16xi32>], vector<16xf32>,
        %mul3A_237 = arith.mulf %gather3A_235, %gather3A_236 : vector<16xf32>
        %gather3A_238 = tpu.vector_load_idx %arg13[%add3A_112, %broadcast_in_dim3A_234] : memref<256x128xf32, #tpu.memory_space<vmem>>[vector<16xi32>, vector<16xi32>], vector<16xf32>,
        %mul3A_239 = arith.mulf %mul3A_237, %gather3A_238 : vector<16xf32>
        %add3A_240 = arith.addf %add3A_232, %mul3A_239 : vector<16xf32>
        %broadcast_in_dim3A_241 = arith.constant 16 : i32
        %broadcast_in_dim3A_242 = vector.broadcast %broadcast_in_dim3A_241 : i32 to vector<16xi32>
        %gather3A_243 = tpu.vector_load_idx %arg11[%add3A_112, %broadcast_in_dim3A_242] : memref<256x128xf32, #tpu.memory_space<vmem>>[vector<16xi32>, vector<16xi32>], vector<16xf32>,
        %gather3A_244 = tpu.vector_load_idx %arg12[%add3A_112, %broadcast_in_dim3A_242] : memref<256x128xf32, #tpu.memory_space<vmem>>[vector<16xi32>, vector<16xi32>], vector<16xf32>,
        %mul3A_245 = arith.mulf %gather3A_243, %gather3A_244 : vector<16xf32>
        %gather3A_246 = tpu.vector_load_idx %arg13[%add3A_112, %broadcast_in_dim3A_242] : memref<256x128xf32, #tpu.memory_space<vmem>>[vector<16xi32>, vector<16xi32>], vector<16xf32>,
        %mul3A_247 = arith.mulf %mul3A_245, %gather3A_246 : vector<16xf32>
        %add3A_248 = arith.addf %add3A_240, %mul3A_247 : vector<16xf32>
        %broadcast_in_dim3A_249 = arith.constant 17 : i32
        %broadcast_in_dim3A_250 = vector.broadcast %broadcast_in_dim3A_249 : i32 to vector<16xi32>
        %gather3A_251 = tpu.vector_load_idx %arg11[%add3A_112, %broadcast_in_dim3A_250] : memref<256x128xf32, #tpu.memory_space<vmem>>[vector<16xi32>, vector<16xi32>], vector<16xf32>,
        %gather3A_252 = tpu.vector_load_idx %arg12[%add3A_112, %broadcast_in_dim3A_250] : memref<256x128xf32, #tpu.memory_space<vmem>>[vector<16xi32>, vector<16xi32>], vector<16xf32>,
        %mul3A_253 = arith.mulf %gather3A_251, %gather3A_252 : vector<16xf32>
        %gather3A_254 = tpu.vector_load_idx %arg13[%add3A_112, %broadcast_in_dim3A_250] : memref<256x128xf32, #tpu.memory_space<vmem>>[vector<16xi32>, vector<16xi32>], vector<16xf32>,
        %mul3A_255 = arith.mulf %mul3A_253, %gather3A_254 : vector<16xf32>
        %add3A_256 = arith.addf %add3A_248, %mul3A_255 : vector<16xf32>
        %broadcast_in_dim3A_257 = arith.constant 18 : i32
        %broadcast_in_dim3A_258 = vector.broadcast %broadcast_in_dim3A_257 : i32 to vector<16xi32>
        %gather3A_259 = tpu.vector_load_idx %arg11[%add3A_112, %broadcast_in_dim3A_258] : memref<256x128xf32, #tpu.memory_space<vmem>>[vector<16xi32>, vector<16xi32>], vector<16xf32>,
        %gather3A_260 = tpu.vector_load_idx %arg12[%add3A_112, %broadcast_in_dim3A_258] : memref<256x128xf32, #tpu.memory_space<vmem>>[vector<16xi32>, vector<16xi32>], vector<16xf32>,
        %mul3A_261 = arith.mulf %gather3A_259, %gather3A_260 : vector<16xf32>
        %gather3A_262 = tpu.vector_load_idx %arg13[%add3A_112, %broadcast_in_dim3A_258] : memref<256x128xf32, #tpu.memory_space<vmem>>[vector<16xi32>, vector<16xi32>], vector<16xf32>,
        %mul3A_263 = arith.mulf %mul3A_261, %gather3A_262 : vector<16xf32>
        %add3A_264 = arith.addf %add3A_256, %mul3A_263 : vector<16xf32>
        %broadcast_in_dim3A_265 = arith.constant 19 : i32
        %broadcast_in_dim3A_266 = vector.broadcast %broadcast_in_dim3A_265 : i32 to vector<16xi32>
        %gather3A_267 = tpu.vector_load_idx %arg11[%add3A_112, %broadcast_in_dim3A_266] : memref<256x128xf32, #tpu.memory_space<vmem>>[vector<16xi32>, vector<16xi32>], vector<16xf32>,
        %gather3A_268 = tpu.vector_load_idx %arg12[%add3A_112, %broadcast_in_dim3A_266] : memref<256x128xf32, #tpu.memory_space<vmem>>[vector<16xi32>, vector<16xi32>], vector<16xf32>,
        %mul3A_269 = arith.mulf %gather3A_267, %gather3A_268 : vector<16xf32>
        %gather3A_270 = tpu.vector_load_idx %arg13[%add3A_112, %broadcast_in_dim3A_266] : memref<256x128xf32, #tpu.memory_space<vmem>>[vector<16xi32>, vector<16xi32>], vector<16xf32>,
        %mul3A_271 = arith.mulf %mul3A_269, %gather3A_270 : vector<16xf32>
        %add3A_272 = arith.addf %add3A_264, %mul3A_271 : vector<16xf32>
        %broadcast_in_dim3A_273 = arith.constant 20 : i32
        %broadcast_in_dim3A_274 = vector.broadcast %broadcast_in_dim3A_273 : i32 to vector<16xi32>
        %gather3A_275 = tpu.vector_load_idx %arg11[%add3A_112, %broadcast_in_dim3A_274] : memref<256x128xf32, #tpu.memory_space<vmem>>[vector<16xi32>, vector<16xi32>], vector<16xf32>,
        %gather3A_276 = tpu.vector_load_idx %arg12[%add3A_112, %broadcast_in_dim3A_274] : memref<256x128xf32, #tpu.memory_space<vmem>>[vector<16xi32>, vector<16xi32>], vector<16xf32>,
        %mul3A_277 = arith.mulf %gather3A_275, %gather3A_276 : vector<16xf32>
        %gather3A_278 = tpu.vector_load_idx %arg13[%add3A_112, %broadcast_in_dim3A_274] : memref<256x128xf32, #tpu.memory_space<vmem>>[vector<16xi32>, vector<16xi32>], vector<16xf32>,
        %mul3A_279 = arith.mulf %mul3A_277, %gather3A_278 : vector<16xf32>
        %add3A_280 = arith.addf %add3A_272, %mul3A_279 : vector<16xf32>
        %broadcast_in_dim3A_281 = arith.constant 21 : i32
        %broadcast_in_dim3A_282 = vector.broadcast %broadcast_in_dim3A_281 : i32 to vector<16xi32>
        %gather3A_283 = tpu.vector_load_idx %arg11[%add3A_112, %broadcast_in_dim3A_282] : memref<256x128xf32, #tpu.memory_space<vmem>>[vector<16xi32>, vector<16xi32>], vector<16xf32>,
        %gather3A_284 = tpu.vector_load_idx %arg12[%add3A_112, %broadcast_in_dim3A_282] : memref<256x128xf32, #tpu.memory_space<vmem>>[vector<16xi32>, vector<16xi32>], vector<16xf32>,
        %mul3A_285 = arith.mulf %gather3A_283, %gather3A_284 : vector<16xf32>
        %gather3A_286 = tpu.vector_load_idx %arg13[%add3A_112, %broadcast_in_dim3A_282] : memref<256x128xf32, #tpu.memory_space<vmem>>[vector<16xi32>, vector<16xi32>], vector<16xf32>,
        %mul3A_287 = arith.mulf %mul3A_285, %gather3A_286 : vector<16xf32>
        %add3A_288 = arith.addf %add3A_280, %mul3A_287 : vector<16xf32>
        %broadcast_in_dim3A_289 = arith.constant 22 : i32
        %broadcast_in_dim3A_290 = vector.broadcast %broadcast_in_dim3A_289 : i32 to vector<16xi32>
        %gather3A_291 = tpu.vector_load_idx %arg11[%add3A_112, %broadcast_in_dim3A_290] : memref<256x128xf32, #tpu.memory_space<vmem>>[vector<16xi32>, vector<16xi32>], vector<16xf32>,
        %gather3A_292 = tpu.vector_load_idx %arg12[%add3A_112, %broadcast_in_dim3A_290] : memref<256x128xf32, #tpu.memory_space<vmem>>[vector<16xi32>, vector<16xi32>], vector<16xf32>,
        %mul3A_293 = arith.mulf %gather3A_291, %gather3A_292 : vector<16xf32>
        %gather3A_294 = tpu.vector_load_idx %arg13[%add3A_112, %broadcast_in_dim3A_290] : memref<256x128xf32, #tpu.memory_space<vmem>>[vector<16xi32>, vector<16xi32>], vector<16xf32>,
        %mul3A_295 = arith.mulf %mul3A_293, %gather3A_294 : vector<16xf32>
        %add3A_296 = arith.addf %add3A_288, %mul3A_295 : vector<16xf32>
        %broadcast_in_dim3A_297 = arith.constant 23 : i32
        %broadcast_in_dim3A_298 = vector.broadcast %broadcast_in_dim3A_297 : i32 to vector<16xi32>
        %gather3A_299 = tpu.vector_load_idx %arg11[%add3A_112, %broadcast_in_dim3A_298] : memref<256x128xf32, #tpu.memory_space<vmem>>[vector<16xi32>, vector<16xi32>], vector<16xf32>,
        %gather3A_300 = tpu.vector_load_idx %arg12[%add3A_112, %broadcast_in_dim3A_298] : memref<256x128xf32, #tpu.memory_space<vmem>>[vector<16xi32>, vector<16xi32>], vector<16xf32>,
        %mul3A_301 = arith.mulf %gather3A_299, %gather3A_300 : vector<16xf32>
        %gather3A_302 = tpu.vector_load_idx %arg13[%add3A_112, %broadcast_in_dim3A_298] : memref<256x128xf32, #tpu.memory_space<vmem>>[vector<16xi32>, vector<16xi32>], vector<16xf32>,
        %mul3A_303 = arith.mulf %mul3A_301, %gather3A_302 : vector<16xf32>
        %add3A_304 = arith.addf %add3A_296, %mul3A_303 : vector<16xf32>
        %broadcast_in_dim3A_305 = arith.constant 24 : i32
        %broadcast_in_dim3A_306 = vector.broadcast %broadcast_in_dim3A_305 : i32 to vector<16xi32>
        %gather3A_307 = tpu.vector_load_idx %arg11[%add3A_112, %broadcast_in_dim3A_306] : memref<256x128xf32, #tpu.memory_space<vmem>>[vector<16xi32>, vector<16xi32>], vector<16xf32>,
        %gather3A_308 = tpu.vector_load_idx %arg12[%add3A_112, %broadcast_in_dim3A_306] : memref<256x128xf32, #tpu.memory_space<vmem>>[vector<16xi32>, vector<16xi32>], vector<16xf32>,
        %mul3A_309 = arith.mulf %gather3A_307, %gather3A_308 : vector<16xf32>
        %gather3A_310 = tpu.vector_load_idx %arg13[%add3A_112, %broadcast_in_dim3A_306] : memref<256x128xf32, #tpu.memory_space<vmem>>[vector<16xi32>, vector<16xi32>], vector<16xf32>,
        %mul3A_311 = arith.mulf %mul3A_309, %gather3A_310 : vector<16xf32>
        %add3A_312 = arith.addf %add3A_304, %mul3A_311 : vector<16xf32>
        %broadcast_in_dim3A_313 = arith.constant 25 : i32
        %broadcast_in_dim3A_314 = vector.broadcast %broadcast_in_dim3A_313 : i32 to vector<16xi32>
        %gather3A_315 = tpu.vector_load_idx %arg11[%add3A_112, %broadcast_in_dim3A_314] : memref<256x128xf32, #tpu.memory_space<vmem>>[vector<16xi32>, vector<16xi32>], vector<16xf32>,
        %gather3A_316 = tpu.vector_load_idx %arg12[%add3A_112, %broadcast_in_dim3A_314] : memref<256x128xf32, #tpu.memory_space<vmem>>[vector<16xi32>, vector<16xi32>], vector<16xf32>,
        %mul3A_317 = arith.mulf %gather3A_315, %gather3A_316 : vector<16xf32>
        %gather3A_318 = tpu.vector_load_idx %arg13[%add3A_112, %broadcast_in_dim3A_314] : memref<256x128xf32, #tpu.memory_space<vmem>>[vector<16xi32>, vector<16xi32>], vector<16xf32>,
        %mul3A_319 = arith.mulf %mul3A_317, %gather3A_318 : vector<16xf32>
        %add3A_320 = arith.addf %add3A_312, %mul3A_319 : vector<16xf32>
        %broadcast_in_dim3A_321 = arith.constant 26 : i32
        %broadcast_in_dim3A_322 = vector.broadcast %broadcast_in_dim3A_321 : i32 to vector<16xi32>
        %gather3A_323 = tpu.vector_load_idx %arg11[%add3A_112, %broadcast_in_dim3A_322] : memref<256x128xf32, #tpu.memory_space<vmem>>[vector<16xi32>, vector<16xi32>], vector<16xf32>,
        %gather3A_324 = tpu.vector_load_idx %arg12[%add3A_112, %broadcast_in_dim3A_322] : memref<256x128xf32, #tpu.memory_space<vmem>>[vector<16xi32>, vector<16xi32>], vector<16xf32>,
        %mul3A_325 = arith.mulf %gather3A_323, %gather3A_324 : vector<16xf32>
        %gather3A_326 = tpu.vector_load_idx %arg13[%add3A_112, %broadcast_in_dim3A_322] : memref<256x128xf32, #tpu.memory_space<vmem>>[vector<16xi32>, vector<16xi32>], vector<16xf32>,
        %mul3A_327 = arith.mulf %mul3A_325, %gather3A_326 : vector<16xf32>
        %add3A_328 = arith.addf %add3A_320, %mul3A_327 : vector<16xf32>
        %broadcast_in_dim3A_329 = arith.constant 27 : i32
        %broadcast_in_dim3A_330 = vector.broadcast %broadcast_in_dim3A_329 : i32 to vector<16xi32>
        %gather3A_331 = tpu.vector_load_idx %arg11[%add3A_112, %broadcast_in_dim3A_330] : memref<256x128xf32, #tpu.memory_space<vmem>>[vector<16xi32>, vector<16xi32>], vector<16xf32>,
        %gather3A_332 = tpu.vector_load_idx %arg12[%add3A_112, %broadcast_in_dim3A_330] : memref<256x128xf32, #tpu.memory_space<vmem>>[vector<16xi32>, vector<16xi32>], vector<16xf32>,
        %mul3A_333 = arith.mulf %gather3A_331, %gather3A_332 : vector<16xf32>
        %gather3A_334 = tpu.vector_load_idx %arg13[%add3A_112, %broadcast_in_dim3A_330] : memref<256x128xf32, #tpu.memory_space<vmem>>[vector<16xi32>, vector<16xi32>], vector<16xf32>,
        %mul3A_335 = arith.mulf %mul3A_333, %gather3A_334 : vector<16xf32>
        %add3A_336 = arith.addf %add3A_328, %mul3A_335 : vector<16xf32>
        %broadcast_in_dim3A_337 = arith.constant 28 : i32
        %broadcast_in_dim3A_338 = vector.broadcast %broadcast_in_dim3A_337 : i32 to vector<16xi32>
        %gather3A_339 = tpu.vector_load_idx %arg11[%add3A_112, %broadcast_in_dim3A_338] : memref<256x128xf32, #tpu.memory_space<vmem>>[vector<16xi32>, vector<16xi32>], vector<16xf32>,
        %gather3A_340 = tpu.vector_load_idx %arg12[%add3A_112, %broadcast_in_dim3A_338] : memref<256x128xf32, #tpu.memory_space<vmem>>[vector<16xi32>, vector<16xi32>], vector<16xf32>,
        %mul3A_341 = arith.mulf %gather3A_339, %gather3A_340 : vector<16xf32>
        %gather3A_342 = tpu.vector_load_idx %arg13[%add3A_112, %broadcast_in_dim3A_338] : memref<256x128xf32, #tpu.memory_space<vmem>>[vector<16xi32>, vector<16xi32>], vector<16xf32>,
        %mul3A_343 = arith.mulf %mul3A_341, %gather3A_342 : vector<16xf32>
        %add3A_344 = arith.addf %add3A_336, %mul3A_343 : vector<16xf32>
        %broadcast_in_dim3A_345 = arith.constant 29 : i32
        %broadcast_in_dim3A_346 = vector.broadcast %broadcast_in_dim3A_345 : i32 to vector<16xi32>
        %gather3A_347 = tpu.vector_load_idx %arg11[%add3A_112, %broadcast_in_dim3A_346] : memref<256x128xf32, #tpu.memory_space<vmem>>[vector<16xi32>, vector<16xi32>], vector<16xf32>,
        %gather3A_348 = tpu.vector_load_idx %arg12[%add3A_112, %broadcast_in_dim3A_346] : memref<256x128xf32, #tpu.memory_space<vmem>>[vector<16xi32>, vector<16xi32>], vector<16xf32>,
        %mul3A_349 = arith.mulf %gather3A_347, %gather3A_348 : vector<16xf32>
        %gather3A_350 = tpu.vector_load_idx %arg13[%add3A_112, %broadcast_in_dim3A_346] : memref<256x128xf32, #tpu.memory_space<vmem>>[vector<16xi32>, vector<16xi32>], vector<16xf32>,
        %mul3A_351 = arith.mulf %mul3A_349, %gather3A_350 : vector<16xf32>
        %add3A_352 = arith.addf %add3A_344, %mul3A_351 : vector<16xf32>
        %broadcast_in_dim3A_353 = arith.constant 30 : i32
        %broadcast_in_dim3A_354 = vector.broadcast %broadcast_in_dim3A_353 : i32 to vector<16xi32>
        %gather3A_355 = tpu.vector_load_idx %arg11[%add3A_112, %broadcast_in_dim3A_354] : memref<256x128xf32, #tpu.memory_space<vmem>>[vector<16xi32>, vector<16xi32>], vector<16xf32>,
        %gather3A_356 = tpu.vector_load_idx %arg12[%add3A_112, %broadcast_in_dim3A_354] : memref<256x128xf32, #tpu.memory_space<vmem>>[vector<16xi32>, vector<16xi32>], vector<16xf32>,
        %mul3A_357 = arith.mulf %gather3A_355, %gather3A_356 : vector<16xf32>
        %gather3A_358 = tpu.vector_load_idx %arg13[%add3A_112, %broadcast_in_dim3A_354] : memref<256x128xf32, #tpu.memory_space<vmem>>[vector<16xi32>, vector<16xi32>], vector<16xf32>,
        %mul3A_359 = arith.mulf %mul3A_357, %gather3A_358 : vector<16xf32>
        %add3A_360 = arith.addf %add3A_352, %mul3A_359 : vector<16xf32>
        %broadcast_in_dim3A_361 = arith.constant 31 : i32
        %broadcast_in_dim3A_362 = vector.broadcast %broadcast_in_dim3A_361 : i32 to vector<16xi32>
        %gather3A_363 = tpu.vector_load_idx %arg11[%add3A_112, %broadcast_in_dim3A_362] : memref<256x128xf32, #tpu.memory_space<vmem>>[vector<16xi32>, vector<16xi32>], vector<16xf32>,
        %gather3A_364 = tpu.vector_load_idx %arg12[%add3A_112, %broadcast_in_dim3A_362] : memref<256x128xf32, #tpu.memory_space<vmem>>[vector<16xi32>, vector<16xi32>], vector<16xf32>,
        %mul3A_365 = arith.mulf %gather3A_363, %gather3A_364 : vector<16xf32>
        %gather3A_366 = tpu.vector_load_idx %arg13[%add3A_112, %broadcast_in_dim3A_362] : memref<256x128xf32, #tpu.memory_space<vmem>>[vector<16xi32>, vector<16xi32>], vector<16xf32>,
        %mul3A_367 = arith.mulf %mul3A_365, %gather3A_366 : vector<16xf32>
        %add3A_368 = arith.addf %add3A_360, %mul3A_367 : vector<16xf32>
        %broadcast_in_dim3A_369 = arith.constant 32 : i32
        %broadcast_in_dim3A_370 = vector.broadcast %broadcast_in_dim3A_369 : i32 to vector<16xi32>
        %gather3A_371 = tpu.vector_load_idx %arg11[%add3A_112, %broadcast_in_dim3A_370] : memref<256x128xf32, #tpu.memory_space<vmem>>[vector<16xi32>, vector<16xi32>], vector<16xf32>,
        %gather3A_372 = tpu.vector_load_idx %arg12[%add3A_112, %broadcast_in_dim3A_370] : memref<256x128xf32, #tpu.memory_space<vmem>>[vector<16xi32>, vector<16xi32>], vector<16xf32>,
        %mul3A_373 = arith.mulf %gather3A_371, %gather3A_372 : vector<16xf32>
        %gather3A_374 = tpu.vector_load_idx %arg13[%add3A_112, %broadcast_in_dim3A_370] : memref<256x128xf32, #tpu.memory_space<vmem>>[vector<16xi32>, vector<16xi32>], vector<16xf32>,
        %mul3A_375 = arith.mulf %mul3A_373, %gather3A_374 : vector<16xf32>
        %add3A_376 = arith.addf %add3A_368, %mul3A_375 : vector<16xf32>
        %broadcast_in_dim3A_377 = arith.constant 33 : i32
        %broadcast_in_dim3A_378 = vector.broadcast %broadcast_in_dim3A_377 : i32 to vector<16xi32>
        %gather3A_379 = tpu.vector_load_idx %arg11[%add3A_112, %broadcast_in_dim3A_378] : memref<256x128xf32, #tpu.memory_space<vmem>>[vector<16xi32>, vector<16xi32>], vector<16xf32>,
        %gather3A_380 = tpu.vector_load_idx %arg12[%add3A_112, %broadcast_in_dim3A_378] : memref<256x128xf32, #tpu.memory_space<vmem>>[vector<16xi32>, vector<16xi32>], vector<16xf32>,
        %mul3A_381 = arith.mulf %gather3A_379, %gather3A_380 : vector<16xf32>
        %gather3A_382 = tpu.vector_load_idx %arg13[%add3A_112, %broadcast_in_dim3A_378] : memref<256x128xf32, #tpu.memory_space<vmem>>[vector<16xi32>, vector<16xi32>], vector<16xf32>,
        %mul3A_383 = arith.mulf %mul3A_381, %gather3A_382 : vector<16xf32>
        %add3A_384 = arith.addf %add3A_376, %mul3A_383 : vector<16xf32>
        %broadcast_in_dim3A_385 = arith.constant 34 : i32
        %broadcast_in_dim3A_386 = vector.broadcast %broadcast_in_dim3A_385 : i32 to vector<16xi32>
        %gather3A_387 = tpu.vector_load_idx %arg11[%add3A_112, %broadcast_in_dim3A_386] : memref<256x128xf32, #tpu.memory_space<vmem>>[vector<16xi32>, vector<16xi32>], vector<16xf32>,
        %gather3A_388 = tpu.vector_load_idx %arg12[%add3A_112, %broadcast_in_dim3A_386] : memref<256x128xf32, #tpu.memory_space<vmem>>[vector<16xi32>, vector<16xi32>], vector<16xf32>,
        %mul3A_389 = arith.mulf %gather3A_387, %gather3A_388 : vector<16xf32>
        %gather3A_390 = tpu.vector_load_idx %arg13[%add3A_112, %broadcast_in_dim3A_386] : memref<256x128xf32, #tpu.memory_space<vmem>>[vector<16xi32>, vector<16xi32>], vector<16xf32>,
        %mul3A_391 = arith.mulf %mul3A_389, %gather3A_390 : vector<16xf32>
        %add3A_392 = arith.addf %add3A_384, %mul3A_391 : vector<16xf32>
        %broadcast_in_dim3A_393 = arith.constant 35 : i32
        %broadcast_in_dim3A_394 = vector.broadcast %broadcast_in_dim3A_393 : i32 to vector<16xi32>
        %gather3A_395 = tpu.vector_load_idx %arg11[%add3A_112, %broadcast_in_dim3A_394] : memref<256x128xf32, #tpu.memory_space<vmem>>[vector<16xi32>, vector<16xi32>], vector<16xf32>,
        %gather3A_396 = tpu.vector_load_idx %arg12[%add3A_112, %broadcast_in_dim3A_394] : memref<256x128xf32, #tpu.memory_space<vmem>>[vector<16xi32>, vector<16xi32>], vector<16xf32>,
        %mul3A_397 = arith.mulf %gather3A_395, %gather3A_396 : vector<16xf32>
        %gather3A_398 = tpu.vector_load_idx %arg13[%add3A_112, %broadcast_in_dim3A_394] : memref<256x128xf32, #tpu.memory_space<vmem>>[vector<16xi32>, vector<16xi32>], vector<16xf32>,
        %mul3A_399 = arith.mulf %mul3A_397, %gather3A_398 : vector<16xf32>
        %add3A_400 = arith.addf %add3A_392, %mul3A_399 : vector<16xf32>
        %broadcast_in_dim3A_401 = arith.constant 36 : i32
        %broadcast_in_dim3A_402 = vector.broadcast %broadcast_in_dim3A_401 : i32 to vector<16xi32>
        %gather3A_403 = tpu.vector_load_idx %arg11[%add3A_112, %broadcast_in_dim3A_402] : memref<256x128xf32, #tpu.memory_space<vmem>>[vector<16xi32>, vector<16xi32>], vector<16xf32>,
        %gather3A_404 = tpu.vector_load_idx %arg12[%add3A_112, %broadcast_in_dim3A_402] : memref<256x128xf32, #tpu.memory_space<vmem>>[vector<16xi32>, vector<16xi32>], vector<16xf32>,
        %mul3A_405 = arith.mulf %gather3A_403, %gather3A_404 : vector<16xf32>
        %gather3A_406 = tpu.vector_load_idx %arg13[%add3A_112, %broadcast_in_dim3A_402] : memref<256x128xf32, #tpu.memory_space<vmem>>[vector<16xi32>, vector<16xi32>], vector<16xf32>,
        %mul3A_407 = arith.mulf %mul3A_405, %gather3A_406 : vector<16xf32>
        %add3A_408 = arith.addf %add3A_400, %mul3A_407 : vector<16xf32>
        %broadcast_in_dim3A_409 = arith.constant 37 : i32
        %broadcast_in_dim3A_410 = vector.broadcast %broadcast_in_dim3A_409 : i32 to vector<16xi32>
        %gather3A_411 = tpu.vector_load_idx %arg11[%add3A_112, %broadcast_in_dim3A_410] : memref<256x128xf32, #tpu.memory_space<vmem>>[vector<16xi32>, vector<16xi32>], vector<16xf32>,
        %gather3A_412 = tpu.vector_load_idx %arg12[%add3A_112, %broadcast_in_dim3A_410] : memref<256x128xf32, #tpu.memory_space<vmem>>[vector<16xi32>, vector<16xi32>], vector<16xf32>,
        %mul3A_413 = arith.mulf %gather3A_411, %gather3A_412 : vector<16xf32>
        %gather3A_414 = tpu.vector_load_idx %arg13[%add3A_112, %broadcast_in_dim3A_410] : memref<256x128xf32, #tpu.memory_space<vmem>>[vector<16xi32>, vector<16xi32>], vector<16xf32>,
        %mul3A_415 = arith.mulf %mul3A_413, %gather3A_414 : vector<16xf32>
        %add3A_416 = arith.addf %add3A_408, %mul3A_415 : vector<16xf32>
        %broadcast_in_dim3A_417 = arith.constant 38 : i32
        %broadcast_in_dim3A_418 = vector.broadcast %broadcast_in_dim3A_417 : i32 to vector<16xi32>
        %gather3A_419 = tpu.vector_load_idx %arg11[%add3A_112, %broadcast_in_dim3A_418] : memref<256x128xf32, #tpu.memory_space<vmem>>[vector<16xi32>, vector<16xi32>], vector<16xf32>,
        %gather3A_420 = tpu.vector_load_idx %arg12[%add3A_112, %broadcast_in_dim3A_418] : memref<256x128xf32, #tpu.memory_space<vmem>>[vector<16xi32>, vector<16xi32>], vector<16xf32>,
        %mul3A_421 = arith.mulf %gather3A_419, %gather3A_420 : vector<16xf32>
        %gather3A_422 = tpu.vector_load_idx %arg13[%add3A_112, %broadcast_in_dim3A_418] : memref<256x128xf32, #tpu.memory_space<vmem>>[vector<16xi32>, vector<16xi32>], vector<16xf32>,
        %mul3A_423 = arith.mulf %mul3A_421, %gather3A_422 : vector<16xf32>
        %add3A_424 = arith.addf %add3A_416, %mul3A_423 : vector<16xf32>
        %broadcast_in_dim3A_425 = arith.constant 39 : i32
        %broadcast_in_dim3A_426 = vector.broadcast %broadcast_in_dim3A_425 : i32 to vector<16xi32>
        %gather3A_427 = tpu.vector_load_idx %arg11[%add3A_112, %broadcast_in_dim3A_426] : memref<256x128xf32, #tpu.memory_space<vmem>>[vector<16xi32>, vector<16xi32>], vector<16xf32>,
        %gather3A_428 = tpu.vector_load_idx %arg12[%add3A_112, %broadcast_in_dim3A_426] : memref<256x128xf32, #tpu.memory_space<vmem>>[vector<16xi32>, vector<16xi32>], vector<16xf32>,
        %mul3A_429 = arith.mulf %gather3A_427, %gather3A_428 : vector<16xf32>
        %gather3A_430 = tpu.vector_load_idx %arg13[%add3A_112, %broadcast_in_dim3A_426] : memref<256x128xf32, #tpu.memory_space<vmem>>[vector<16xi32>, vector<16xi32>], vector<16xf32>,
        %mul3A_431 = arith.mulf %mul3A_429, %gather3A_430 : vector<16xf32>
        %add3A_432 = arith.addf %add3A_424, %mul3A_431 : vector<16xf32>
        %broadcast_in_dim3A_433 = arith.constant 40 : i32
        %broadcast_in_dim3A_434 = vector.broadcast %broadcast_in_dim3A_433 : i32 to vector<16xi32>
        %gather3A_435 = tpu.vector_load_idx %arg11[%add3A_112, %broadcast_in_dim3A_434] : memref<256x128xf32, #tpu.memory_space<vmem>>[vector<16xi32>, vector<16xi32>], vector<16xf32>,
        %gather3A_436 = tpu.vector_load_idx %arg12[%add3A_112, %broadcast_in_dim3A_434] : memref<256x128xf32, #tpu.memory_space<vmem>>[vector<16xi32>, vector<16xi32>], vector<16xf32>,
        %mul3A_437 = arith.mulf %gather3A_435, %gather3A_436 : vector<16xf32>
        %gather3A_438 = tpu.vector_load_idx %arg13[%add3A_112, %broadcast_in_dim3A_434] : memref<256x128xf32, #tpu.memory_space<vmem>>[vector<16xi32>, vector<16xi32>], vector<16xf32>,
        %mul3A_439 = arith.mulf %mul3A_437, %gather3A_438 : vector<16xf32>
        %add3A_440 = arith.addf %add3A_432, %mul3A_439 : vector<16xf32>
        %broadcast_in_dim3A_441 = arith.constant 41 : i32
        %broadcast_in_dim3A_442 = vector.broadcast %broadcast_in_dim3A_441 : i32 to vector<16xi32>
        %gather3A_443 = tpu.vector_load_idx %arg11[%add3A_112, %broadcast_in_dim3A_442] : memref<256x128xf32, #tpu.memory_space<vmem>>[vector<16xi32>, vector<16xi32>], vector<16xf32>,
        %gather3A_444 = tpu.vector_load_idx %arg12[%add3A_112, %broadcast_in_dim3A_442] : memref<256x128xf32, #tpu.memory_space<vmem>>[vector<16xi32>, vector<16xi32>], vector<16xf32>,
        %mul3A_445 = arith.mulf %gather3A_443, %gather3A_444 : vector<16xf32>
        %gather3A_446 = tpu.vector_load_idx %arg13[%add3A_112, %broadcast_in_dim3A_442] : memref<256x128xf32, #tpu.memory_space<vmem>>[vector<16xi32>, vector<16xi32>], vector<16xf32>,
        %mul3A_447 = arith.mulf %mul3A_445, %gather3A_446 : vector<16xf32>
        %add3A_448 = arith.addf %add3A_440, %mul3A_447 : vector<16xf32>
        %broadcast_in_dim3A_449 = arith.constant 42 : i32
        %broadcast_in_dim3A_450 = vector.broadcast %broadcast_in_dim3A_449 : i32 to vector<16xi32>
        %gather3A_451 = tpu.vector_load_idx %arg11[%add3A_112, %broadcast_in_dim3A_450] : memref<256x128xf32, #tpu.memory_space<vmem>>[vector<16xi32>, vector<16xi32>], vector<16xf32>,
        %gather3A_452 = tpu.vector_load_idx %arg12[%add3A_112, %broadcast_in_dim3A_450] : memref<256x128xf32, #tpu.memory_space<vmem>>[vector<16xi32>, vector<16xi32>], vector<16xf32>,
        %mul3A_453 = arith.mulf %gather3A_451, %gather3A_452 : vector<16xf32>
        %gather3A_454 = tpu.vector_load_idx %arg13[%add3A_112, %broadcast_in_dim3A_450] : memref<256x128xf32, #tpu.memory_space<vmem>>[vector<16xi32>, vector<16xi32>], vector<16xf32>,
        %mul3A_455 = arith.mulf %mul3A_453, %gather3A_454 : vector<16xf32>
        %add3A_456 = arith.addf %add3A_448, %mul3A_455 : vector<16xf32>
        %broadcast_in_dim3A_457 = arith.constant 43 : i32
        %broadcast_in_dim3A_458 = vector.broadcast %broadcast_in_dim3A_457 : i32 to vector<16xi32>
        %gather3A_459 = tpu.vector_load_idx %arg11[%add3A_112, %broadcast_in_dim3A_458] : memref<256x128xf32, #tpu.memory_space<vmem>>[vector<16xi32>, vector<16xi32>], vector<16xf32>,
        %gather3A_460 = tpu.vector_load_idx %arg12[%add3A_112, %broadcast_in_dim3A_458] : memref<256x128xf32, #tpu.memory_space<vmem>>[vector<16xi32>, vector<16xi32>], vector<16xf32>,
        %mul3A_461 = arith.mulf %gather3A_459, %gather3A_460 : vector<16xf32>
        %gather3A_462 = tpu.vector_load_idx %arg13[%add3A_112, %broadcast_in_dim3A_458] : memref<256x128xf32, #tpu.memory_space<vmem>>[vector<16xi32>, vector<16xi32>], vector<16xf32>,
        %mul3A_463 = arith.mulf %mul3A_461, %gather3A_462 : vector<16xf32>
        %add3A_464 = arith.addf %add3A_456, %mul3A_463 : vector<16xf32>
        %broadcast_in_dim3A_465 = arith.constant 44 : i32
        %broadcast_in_dim3A_466 = vector.broadcast %broadcast_in_dim3A_465 : i32 to vector<16xi32>
        %gather3A_467 = tpu.vector_load_idx %arg11[%add3A_112, %broadcast_in_dim3A_466] : memref<256x128xf32, #tpu.memory_space<vmem>>[vector<16xi32>, vector<16xi32>], vector<16xf32>,
        %gather3A_468 = tpu.vector_load_idx %arg12[%add3A_112, %broadcast_in_dim3A_466] : memref<256x128xf32, #tpu.memory_space<vmem>>[vector<16xi32>, vector<16xi32>], vector<16xf32>,
        %mul3A_469 = arith.mulf %gather3A_467, %gather3A_468 : vector<16xf32>
        %gather3A_470 = tpu.vector_load_idx %arg13[%add3A_112, %broadcast_in_dim3A_466] : memref<256x128xf32, #tpu.memory_space<vmem>>[vector<16xi32>, vector<16xi32>], vector<16xf32>,
        %mul3A_471 = arith.mulf %mul3A_469, %gather3A_470 : vector<16xf32>
        %add3A_472 = arith.addf %add3A_464, %mul3A_471 : vector<16xf32>
        %broadcast_in_dim3A_473 = arith.constant 45 : i32
        %broadcast_in_dim3A_474 = vector.broadcast %broadcast_in_dim3A_473 : i32 to vector<16xi32>
        %gather3A_475 = tpu.vector_load_idx %arg11[%add3A_112, %broadcast_in_dim3A_474] : memref<256x128xf32, #tpu.memory_space<vmem>>[vector<16xi32>, vector<16xi32>], vector<16xf32>,
        %gather3A_476 = tpu.vector_load_idx %arg12[%add3A_112, %broadcast_in_dim3A_474] : memref<256x128xf32, #tpu.memory_space<vmem>>[vector<16xi32>, vector<16xi32>], vector<16xf32>,
        %mul3A_477 = arith.mulf %gather3A_475, %gather3A_476 : vector<16xf32>
        %gather3A_478 = tpu.vector_load_idx %arg13[%add3A_112, %broadcast_in_dim3A_474] : memref<256x128xf32, #tpu.memory_space<vmem>>[vector<16xi32>, vector<16xi32>], vector<16xf32>,
        %mul3A_479 = arith.mulf %mul3A_477, %gather3A_478 : vector<16xf32>
        %add3A_480 = arith.addf %add3A_472, %mul3A_479 : vector<16xf32>
        %broadcast_in_dim3A_481 = arith.constant 46 : i32
        %broadcast_in_dim3A_482 = vector.broadcast %broadcast_in_dim3A_481 : i32 to vector<16xi32>
        %gather3A_483 = tpu.vector_load_idx %arg11[%add3A_112, %broadcast_in_dim3A_482] : memref<256x128xf32, #tpu.memory_space<vmem>>[vector<16xi32>, vector<16xi32>], vector<16xf32>,
        %gather3A_484 = tpu.vector_load_idx %arg12[%add3A_112, %broadcast_in_dim3A_482] : memref<256x128xf32, #tpu.memory_space<vmem>>[vector<16xi32>, vector<16xi32>], vector<16xf32>,
        %mul3A_485 = arith.mulf %gather3A_483, %gather3A_484 : vector<16xf32>
        %gather3A_486 = tpu.vector_load_idx %arg13[%add3A_112, %broadcast_in_dim3A_482] : memref<256x128xf32, #tpu.memory_space<vmem>>[vector<16xi32>, vector<16xi32>], vector<16xf32>,
        %mul3A_487 = arith.mulf %mul3A_485, %gather3A_486 : vector<16xf32>
        %add3A_488 = arith.addf %add3A_480, %mul3A_487 : vector<16xf32>
        %broadcast_in_dim3A_489 = arith.constant 47 : i32
        %broadcast_in_dim3A_490 = vector.broadcast %broadcast_in_dim3A_489 : i32 to vector<16xi32>
        %gather3A_491 = tpu.vector_load_idx %arg11[%add3A_112, %broadcast_in_dim3A_490] : memref<256x128xf32, #tpu.memory_space<vmem>>[vector<16xi32>, vector<16xi32>], vector<16xf32>,
        %gather3A_492 = tpu.vector_load_idx %arg12[%add3A_112, %broadcast_in_dim3A_490] : memref<256x128xf32, #tpu.memory_space<vmem>>[vector<16xi32>, vector<16xi32>], vector<16xf32>,
        %mul3A_493 = arith.mulf %gather3A_491, %gather3A_492 : vector<16xf32>
        %gather3A_494 = tpu.vector_load_idx %arg13[%add3A_112, %broadcast_in_dim3A_490] : memref<256x128xf32, #tpu.memory_space<vmem>>[vector<16xi32>, vector<16xi32>], vector<16xf32>,
        %mul3A_495 = arith.mulf %mul3A_493, %gather3A_494 : vector<16xf32>
        %add3A_496 = arith.addf %add3A_488, %mul3A_495 : vector<16xf32>
        %broadcast_in_dim3A_497 = arith.constant 48 : i32
        %broadcast_in_dim3A_498 = vector.broadcast %broadcast_in_dim3A_497 : i32 to vector<16xi32>
        %gather3A_499 = tpu.vector_load_idx %arg11[%add3A_112, %broadcast_in_dim3A_498] : memref<256x128xf32, #tpu.memory_space<vmem>>[vector<16xi32>, vector<16xi32>], vector<16xf32>,
        %gather3A_500 = tpu.vector_load_idx %arg12[%add3A_112, %broadcast_in_dim3A_498] : memref<256x128xf32, #tpu.memory_space<vmem>>[vector<16xi32>, vector<16xi32>], vector<16xf32>,
        %mul3A_501 = arith.mulf %gather3A_499, %gather3A_500 : vector<16xf32>
        %gather3A_502 = tpu.vector_load_idx %arg13[%add3A_112, %broadcast_in_dim3A_498] : memref<256x128xf32, #tpu.memory_space<vmem>>[vector<16xi32>, vector<16xi32>], vector<16xf32>,
        %mul3A_503 = arith.mulf %mul3A_501, %gather3A_502 : vector<16xf32>
        %add3A_504 = arith.addf %add3A_496, %mul3A_503 : vector<16xf32>
        %broadcast_in_dim3A_505 = arith.constant 49 : i32
        %broadcast_in_dim3A_506 = vector.broadcast %broadcast_in_dim3A_505 : i32 to vector<16xi32>
        %gather3A_507 = tpu.vector_load_idx %arg11[%add3A_112, %broadcast_in_dim3A_506] : memref<256x128xf32, #tpu.memory_space<vmem>>[vector<16xi32>, vector<16xi32>], vector<16xf32>,
        %gather3A_508 = tpu.vector_load_idx %arg12[%add3A_112, %broadcast_in_dim3A_506] : memref<256x128xf32, #tpu.memory_space<vmem>>[vector<16xi32>, vector<16xi32>], vector<16xf32>,
        %mul3A_509 = arith.mulf %gather3A_507, %gather3A_508 : vector<16xf32>
        %gather3A_510 = tpu.vector_load_idx %arg13[%add3A_112, %broadcast_in_dim3A_506] : memref<256x128xf32, #tpu.memory_space<vmem>>[vector<16xi32>, vector<16xi32>], vector<16xf32>,
        %mul3A_511 = arith.mulf %mul3A_509, %gather3A_510 : vector<16xf32>
        %add3A_512 = arith.addf %add3A_504, %mul3A_511 : vector<16xf32>
        %broadcast_in_dim3A_513 = arith.constant 50 : i32
        %broadcast_in_dim3A_514 = vector.broadcast %broadcast_in_dim3A_513 : i32 to vector<16xi32>
        %gather3A_515 = tpu.vector_load_idx %arg11[%add3A_112, %broadcast_in_dim3A_514] : memref<256x128xf32, #tpu.memory_space<vmem>>[vector<16xi32>, vector<16xi32>], vector<16xf32>,
        %gather3A_516 = tpu.vector_load_idx %arg12[%add3A_112, %broadcast_in_dim3A_514] : memref<256x128xf32, #tpu.memory_space<vmem>>[vector<16xi32>, vector<16xi32>], vector<16xf32>,
        %mul3A_517 = arith.mulf %gather3A_515, %gather3A_516 : vector<16xf32>
        %gather3A_518 = tpu.vector_load_idx %arg13[%add3A_112, %broadcast_in_dim3A_514] : memref<256x128xf32, #tpu.memory_space<vmem>>[vector<16xi32>, vector<16xi32>], vector<16xf32>,
        %mul3A_519 = arith.mulf %mul3A_517, %gather3A_518 : vector<16xf32>
        %add3A_520 = arith.addf %add3A_512, %mul3A_519 : vector<16xf32>
        %broadcast_in_dim3A_521 = arith.constant 51 : i32
        %broadcast_in_dim3A_522 = vector.broadcast %broadcast_in_dim3A_521 : i32 to vector<16xi32>
        %gather3A_523 = tpu.vector_load_idx %arg11[%add3A_112, %broadcast_in_dim3A_522] : memref<256x128xf32, #tpu.memory_space<vmem>>[vector<16xi32>, vector<16xi32>], vector<16xf32>,
        %gather3A_524 = tpu.vector_load_idx %arg12[%add3A_112, %broadcast_in_dim3A_522] : memref<256x128xf32, #tpu.memory_space<vmem>>[vector<16xi32>, vector<16xi32>], vector<16xf32>,
        %mul3A_525 = arith.mulf %gather3A_523, %gather3A_524 : vector<16xf32>
        %gather3A_526 = tpu.vector_load_idx %arg13[%add3A_112, %broadcast_in_dim3A_522] : memref<256x128xf32, #tpu.memory_space<vmem>>[vector<16xi32>, vector<16xi32>], vector<16xf32>,
        %mul3A_527 = arith.mulf %mul3A_525, %gather3A_526 : vector<16xf32>
        %add3A_528 = arith.addf %add3A_520, %mul3A_527 : vector<16xf32>
        %broadcast_in_dim3A_529 = arith.constant 52 : i32
        %broadcast_in_dim3A_530 = vector.broadcast %broadcast_in_dim3A_529 : i32 to vector<16xi32>
        %gather3A_531 = tpu.vector_load_idx %arg11[%add3A_112, %broadcast_in_dim3A_530] : memref<256x128xf32, #tpu.memory_space<vmem>>[vector<16xi32>, vector<16xi32>], vector<16xf32>,
        %gather3A_532 = tpu.vector_load_idx %arg12[%add3A_112, %broadcast_in_dim3A_530] : memref<256x128xf32, #tpu.memory_space<vmem>>[vector<16xi32>, vector<16xi32>], vector<16xf32>,
        %mul3A_533 = arith.mulf %gather3A_531, %gather3A_532 : vector<16xf32>
        %gather3A_534 = tpu.vector_load_idx %arg13[%add3A_112, %broadcast_in_dim3A_530] : memref<256x128xf32, #tpu.memory_space<vmem>>[vector<16xi32>, vector<16xi32>], vector<16xf32>,
        %mul3A_535 = arith.mulf %mul3A_533, %gather3A_534 : vector<16xf32>
        %add3A_536 = arith.addf %add3A_528, %mul3A_535 : vector<16xf32>
        %broadcast_in_dim3A_537 = arith.constant 53 : i32
        %broadcast_in_dim3A_538 = vector.broadcast %broadcast_in_dim3A_537 : i32 to vector<16xi32>
        %gather3A_539 = tpu.vector_load_idx %arg11[%add3A_112, %broadcast_in_dim3A_538] : memref<256x128xf32, #tpu.memory_space<vmem>>[vector<16xi32>, vector<16xi32>], vector<16xf32>,
        %gather3A_540 = tpu.vector_load_idx %arg12[%add3A_112, %broadcast_in_dim3A_538] : memref<256x128xf32, #tpu.memory_space<vmem>>[vector<16xi32>, vector<16xi32>], vector<16xf32>,
        %mul3A_541 = arith.mulf %gather3A_539, %gather3A_540 : vector<16xf32>
        %gather3A_542 = tpu.vector_load_idx %arg13[%add3A_112, %broadcast_in_dim3A_538] : memref<256x128xf32, #tpu.memory_space<vmem>>[vector<16xi32>, vector<16xi32>], vector<16xf32>,
        %mul3A_543 = arith.mulf %mul3A_541, %gather3A_542 : vector<16xf32>
        %add3A_544 = arith.addf %add3A_536, %mul3A_543 : vector<16xf32>
        %broadcast_in_dim3A_545 = arith.constant 54 : i32
        %broadcast_in_dim3A_546 = vector.broadcast %broadcast_in_dim3A_545 : i32 to vector<16xi32>
        %gather3A_547 = tpu.vector_load_idx %arg11[%add3A_112, %broadcast_in_dim3A_546] : memref<256x128xf32, #tpu.memory_space<vmem>>[vector<16xi32>, vector<16xi32>], vector<16xf32>,
        %gather3A_548 = tpu.vector_load_idx %arg12[%add3A_112, %broadcast_in_dim3A_546] : memref<256x128xf32, #tpu.memory_space<vmem>>[vector<16xi32>, vector<16xi32>], vector<16xf32>,
        %mul3A_549 = arith.mulf %gather3A_547, %gather3A_548 : vector<16xf32>
        %gather3A_550 = tpu.vector_load_idx %arg13[%add3A_112, %broadcast_in_dim3A_546] : memref<256x128xf32, #tpu.memory_space<vmem>>[vector<16xi32>, vector<16xi32>], vector<16xf32>,
        %mul3A_551 = arith.mulf %mul3A_549, %gather3A_550 : vector<16xf32>
        %add3A_552 = arith.addf %add3A_544, %mul3A_551 : vector<16xf32>
        %broadcast_in_dim3A_553 = arith.constant 55 : i32
        %broadcast_in_dim3A_554 = vector.broadcast %broadcast_in_dim3A_553 : i32 to vector<16xi32>
        %gather3A_555 = tpu.vector_load_idx %arg11[%add3A_112, %broadcast_in_dim3A_554] : memref<256x128xf32, #tpu.memory_space<vmem>>[vector<16xi32>, vector<16xi32>], vector<16xf32>,
        %gather3A_556 = tpu.vector_load_idx %arg12[%add3A_112, %broadcast_in_dim3A_554] : memref<256x128xf32, #tpu.memory_space<vmem>>[vector<16xi32>, vector<16xi32>], vector<16xf32>,
        %mul3A_557 = arith.mulf %gather3A_555, %gather3A_556 : vector<16xf32>
        %gather3A_558 = tpu.vector_load_idx %arg13[%add3A_112, %broadcast_in_dim3A_554] : memref<256x128xf32, #tpu.memory_space<vmem>>[vector<16xi32>, vector<16xi32>], vector<16xf32>,
        %mul3A_559 = arith.mulf %mul3A_557, %gather3A_558 : vector<16xf32>
        %add3A_560 = arith.addf %add3A_552, %mul3A_559 : vector<16xf32>
        %broadcast_in_dim3A_561 = arith.constant 56 : i32
        %broadcast_in_dim3A_562 = vector.broadcast %broadcast_in_dim3A_561 : i32 to vector<16xi32>
        %gather3A_563 = tpu.vector_load_idx %arg11[%add3A_112, %broadcast_in_dim3A_562] : memref<256x128xf32, #tpu.memory_space<vmem>>[vector<16xi32>, vector<16xi32>], vector<16xf32>,
        %gather3A_564 = tpu.vector_load_idx %arg12[%add3A_112, %broadcast_in_dim3A_562] : memref<256x128xf32, #tpu.memory_space<vmem>>[vector<16xi32>, vector<16xi32>], vector<16xf32>,
        %mul3A_565 = arith.mulf %gather3A_563, %gather3A_564 : vector<16xf32>
        %gather3A_566 = tpu.vector_load_idx %arg13[%add3A_112, %broadcast_in_dim3A_562] : memref<256x128xf32, #tpu.memory_space<vmem>>[vector<16xi32>, vector<16xi32>], vector<16xf32>,
        %mul3A_567 = arith.mulf %mul3A_565, %gather3A_566 : vector<16xf32>
        %add3A_568 = arith.addf %add3A_560, %mul3A_567 : vector<16xf32>
        %broadcast_in_dim3A_569 = arith.constant 57 : i32
        %broadcast_in_dim3A_570 = vector.broadcast %broadcast_in_dim3A_569 : i32 to vector<16xi32>
        %gather3A_571 = tpu.vector_load_idx %arg11[%add3A_112, %broadcast_in_dim3A_570] : memref<256x128xf32, #tpu.memory_space<vmem>>[vector<16xi32>, vector<16xi32>], vector<16xf32>,
        %gather3A_572 = tpu.vector_load_idx %arg12[%add3A_112, %broadcast_in_dim3A_570] : memref<256x128xf32, #tpu.memory_space<vmem>>[vector<16xi32>, vector<16xi32>], vector<16xf32>,
        %mul3A_573 = arith.mulf %gather3A_571, %gather3A_572 : vector<16xf32>
        %gather3A_574 = tpu.vector_load_idx %arg13[%add3A_112, %broadcast_in_dim3A_570] : memref<256x128xf32, #tpu.memory_space<vmem>>[vector<16xi32>, vector<16xi32>], vector<16xf32>,
        %mul3A_575 = arith.mulf %mul3A_573, %gather3A_574 : vector<16xf32>
        %add3A_576 = arith.addf %add3A_568, %mul3A_575 : vector<16xf32>
        %broadcast_in_dim3A_577 = arith.constant 58 : i32
        %broadcast_in_dim3A_578 = vector.broadcast %broadcast_in_dim3A_577 : i32 to vector<16xi32>
        %gather3A_579 = tpu.vector_load_idx %arg11[%add3A_112, %broadcast_in_dim3A_578] : memref<256x128xf32, #tpu.memory_space<vmem>>[vector<16xi32>, vector<16xi32>], vector<16xf32>,
        %gather3A_580 = tpu.vector_load_idx %arg12[%add3A_112, %broadcast_in_dim3A_578] : memref<256x128xf32, #tpu.memory_space<vmem>>[vector<16xi32>, vector<16xi32>], vector<16xf32>,
        %mul3A_581 = arith.mulf %gather3A_579, %gather3A_580 : vector<16xf32>
        %gather3A_582 = tpu.vector_load_idx %arg13[%add3A_112, %broadcast_in_dim3A_578] : memref<256x128xf32, #tpu.memory_space<vmem>>[vector<16xi32>, vector<16xi32>], vector<16xf32>,
        %mul3A_583 = arith.mulf %mul3A_581, %gather3A_582 : vector<16xf32>
        %add3A_584 = arith.addf %add3A_576, %mul3A_583 : vector<16xf32>
        %broadcast_in_dim3A_585 = arith.constant 59 : i32
        %broadcast_in_dim3A_586 = vector.broadcast %broadcast_in_dim3A_585 : i32 to vector<16xi32>
        %gather3A_587 = tpu.vector_load_idx %arg11[%add3A_112, %broadcast_in_dim3A_586] : memref<256x128xf32, #tpu.memory_space<vmem>>[vector<16xi32>, vector<16xi32>], vector<16xf32>,
        %gather3A_588 = tpu.vector_load_idx %arg12[%add3A_112, %broadcast_in_dim3A_586] : memref<256x128xf32, #tpu.memory_space<vmem>>[vector<16xi32>, vector<16xi32>], vector<16xf32>,
        %mul3A_589 = arith.mulf %gather3A_587, %gather3A_588 : vector<16xf32>
        %gather3A_590 = tpu.vector_load_idx %arg13[%add3A_112, %broadcast_in_dim3A_586] : memref<256x128xf32, #tpu.memory_space<vmem>>[vector<16xi32>, vector<16xi32>], vector<16xf32>,
        %mul3A_591 = arith.mulf %mul3A_589, %gather3A_590 : vector<16xf32>
        %add3A_592 = arith.addf %add3A_584, %mul3A_591 : vector<16xf32>
        %broadcast_in_dim3A_593 = arith.constant 60 : i32
        %broadcast_in_dim3A_594 = vector.broadcast %broadcast_in_dim3A_593 : i32 to vector<16xi32>
        %gather3A_595 = tpu.vector_load_idx %arg11[%add3A_112, %broadcast_in_dim3A_594] : memref<256x128xf32, #tpu.memory_space<vmem>>[vector<16xi32>, vector<16xi32>], vector<16xf32>,
        %gather3A_596 = tpu.vector_load_idx %arg12[%add3A_112, %broadcast_in_dim3A_594] : memref<256x128xf32, #tpu.memory_space<vmem>>[vector<16xi32>, vector<16xi32>], vector<16xf32>,
        %mul3A_597 = arith.mulf %gather3A_595, %gather3A_596 : vector<16xf32>
        %gather3A_598 = tpu.vector_load_idx %arg13[%add3A_112, %broadcast_in_dim3A_594] : memref<256x128xf32, #tpu.memory_space<vmem>>[vector<16xi32>, vector<16xi32>], vector<16xf32>,
        %mul3A_599 = arith.mulf %mul3A_597, %gather3A_598 : vector<16xf32>
        %add3A_600 = arith.addf %add3A_592, %mul3A_599 : vector<16xf32>
        %broadcast_in_dim3A_601 = arith.constant 61 : i32
        %broadcast_in_dim3A_602 = vector.broadcast %broadcast_in_dim3A_601 : i32 to vector<16xi32>
        %gather3A_603 = tpu.vector_load_idx %arg11[%add3A_112, %broadcast_in_dim3A_602] : memref<256x128xf32, #tpu.memory_space<vmem>>[vector<16xi32>, vector<16xi32>], vector<16xf32>,
        %gather3A_604 = tpu.vector_load_idx %arg12[%add3A_112, %broadcast_in_dim3A_602] : memref<256x128xf32, #tpu.memory_space<vmem>>[vector<16xi32>, vector<16xi32>], vector<16xf32>,
        %mul3A_605 = arith.mulf %gather3A_603, %gather3A_604 : vector<16xf32>
        %gather3A_606 = tpu.vector_load_idx %arg13[%add3A_112, %broadcast_in_dim3A_602] : memref<256x128xf32, #tpu.memory_space<vmem>>[vector<16xi32>, vector<16xi32>], vector<16xf32>,
        %mul3A_607 = arith.mulf %mul3A_605, %gather3A_606 : vector<16xf32>
        %add3A_608 = arith.addf %add3A_600, %mul3A_607 : vector<16xf32>
        %broadcast_in_dim3A_609 = arith.constant 62 : i32
        %broadcast_in_dim3A_610 = vector.broadcast %broadcast_in_dim3A_609 : i32 to vector<16xi32>
        %gather3A_611 = tpu.vector_load_idx %arg11[%add3A_112, %broadcast_in_dim3A_610] : memref<256x128xf32, #tpu.memory_space<vmem>>[vector<16xi32>, vector<16xi32>], vector<16xf32>,
        %gather3A_612 = tpu.vector_load_idx %arg12[%add3A_112, %broadcast_in_dim3A_610] : memref<256x128xf32, #tpu.memory_space<vmem>>[vector<16xi32>, vector<16xi32>], vector<16xf32>,
        %mul3A_613 = arith.mulf %gather3A_611, %gather3A_612 : vector<16xf32>
        %gather3A_614 = tpu.vector_load_idx %arg13[%add3A_112, %broadcast_in_dim3A_610] : memref<256x128xf32, #tpu.memory_space<vmem>>[vector<16xi32>, vector<16xi32>], vector<16xf32>,
        %mul3A_615 = arith.mulf %mul3A_613, %gather3A_614 : vector<16xf32>
        %add3A_616 = arith.addf %add3A_608, %mul3A_615 : vector<16xf32>
        %broadcast_in_dim3A_617 = arith.constant 63 : i32
        %broadcast_in_dim3A_618 = vector.broadcast %broadcast_in_dim3A_617 : i32 to vector<16xi32>
        %gather3A_619 = tpu.vector_load_idx %arg11[%add3A_112, %broadcast_in_dim3A_618] : memref<256x128xf32, #tpu.memory_space<vmem>>[vector<16xi32>, vector<16xi32>], vector<16xf32>,
        %gather3A_620 = tpu.vector_load_idx %arg12[%add3A_112, %broadcast_in_dim3A_618] : memref<256x128xf32, #tpu.memory_space<vmem>>[vector<16xi32>, vector<16xi32>], vector<16xf32>,
        %mul3A_621 = arith.mulf %gather3A_619, %gather3A_620 : vector<16xf32>
        %gather3A_622 = tpu.vector_load_idx %arg13[%add3A_112, %broadcast_in_dim3A_618] : memref<256x128xf32, #tpu.memory_space<vmem>>[vector<16xi32>, vector<16xi32>], vector<16xf32>,
        %mul3A_623 = arith.mulf %mul3A_621, %gather3A_622 : vector<16xf32>
        %add3A_624 = arith.addf %add3A_616, %mul3A_623 : vector<16xf32>
        %mul3A_625 = arith.constant 16 : i32
        %mul3A_626 = arith.muli %scan3A_107, %mul3A_625 : i32
        %add3A_627 = arith.addi %mul3A_12, %mul3A_626 : i32
        %swap3A = arith.index_cast %add3A_627 : i32 to index
        %swap3A_628 = tpu.vector_load %arg14[%swap3A] {strides = array<i32>} : memref<512xf32, #tpu.memory_space<vmem>>, vector<16xf32>,
        tpu.vector_store %arg14[%swap3A], %add3A_624 {strides = array<i32>} : memref<512xf32, #tpu.memory_space<vmem>>, vector<16xf32>,
        %scan3A_629 = arith.constant 0 : i32
        scf.yield %scan3A_629 : i32
      }
      %scan3A_105 = arith.constant 16 : i32
      %scan3A_106 = arith.constant 0 : i32
      scf.yield %scan3A_106 : i32
    }
    %scan3A_8 = arith.constant 2 : i32
    "tpu.region"() ({
      %run_scoped3A = tpu.sem_alloc : memref<!tpu.dma_semaphore, #tpu.memory_space<semaphore_mem>>
      %dma_start3A = tpu.memref_slice %arg7[%mul3A_2] : memref<16384xf32, #tpu.memory_space<hbm>> -> memref<512xf32, #tpu.memory_space<hbm>>
      %dma_start3A_9 = tpu.memref_slice %arg7[%mul3A_2] : memref<16384xf32, #tpu.memory_space<hbm>> -> memref<512xf32, #tpu.memory_space<hbm>>
      tpu.enqueue_dma source(%arg14 : memref<512xf32, #tpu.memory_space<vmem>>) target(%dma_start3A_9 : memref<512xf32, #tpu.memory_space<hbm>>) target_semaphore(%run_scoped3A : memref<!tpu.dma_semaphore, #tpu.memory_space<semaphore_mem>>)
      %dma_wait3A = tpu.memref_slice %arg7[%mul3A_2] : memref<16384xf32, #tpu.memory_space<hbm>> -> memref<512xf32, #tpu.memory_space<hbm>>
      %dma_wait3A_10 = tpu.memref_slice %arg7[%mul3A_2] : memref<16384xf32, #tpu.memory_space<hbm>> -> memref<512xf32, #tpu.memory_space<hbm>>
      tpu.wait_dma2 semaphore(%run_scoped3A : memref<!tpu.dma_semaphore, #tpu.memory_space<semaphore_mem>>) src(%arg14 : memref<512xf32, #tpu.memory_space<vmem>>) dst(%dma_wait3A_10 : memref<512xf32, #tpu.memory_space<hbm>>)
      tpu.yield
    }) : () -> ()
    return
  }
}

</mosaic_0001>

<sc_bundles>
// kernel: kernel.3.cloned.1.call-start
scs
__scs_entry_jumppad:
0x0: {  	(pc) =	sbr.rel $0x88, $3  }
0x1: {  	(tag) =	ssettag $0x0;
	lr =	simm.s32 $0x1  }
0x2: {  	[smem:$0x3F9C] =	sst lr;
	_ =	strace $0xD0000000  }
0x3: {  	_ = 	snop  }
0x4: {  	_ = 	snop  }
0x5: {  	_ = 	snop  }
0x6: {  	_ = 	snop  }
0x7: {  	_ = 	snop  }
__scs_overlays_trampoline_lowered:
0x8: {  	[smem:$0x3FAB] =	sst s0  }
0x9: {  	[smem:$0x3FAC] =	sst s1  }
0xa: {  	[smem:$0x3FAD] =	sst s2  }
0xb: {  	[smem:$0x3FAE] =	sst s3  }
0xc: {  	[smem:$0x3FAF] =	sst s4  }
0xd: {  	[smem:$0x3FB0] =	sst s5  }
0xe: {  	[smem:$0x3FB1] =	sst s6  }
0xf: {  	[smem:$0x3FB2] =	sst s7  }
0x10: {  	[smem:$0x3FB3] =	sst s8  }
0x11: {  	[smem:$0x3FB4] =	sst s9;
	s0 =	simm.s32 @!p0 $0x0  }
0x12: {  	s1 =	sld [smem:$0x3F9A];
	s0 =	simm.s32 @p0 $0x1  }
0x13: {  	[smem:$0x3FB5] =	sst s0;
	s0 =	simm.s32 @!p1 $0x0  }
0x14: {  	s2 =	sld [smem:$0x3F99];
	s0 =	simm.s32 @p1 $0x1  }
0x15: {  	[smem:$0x3FB6] =	sst s0;
	s0 =	simm.s32 @!p2 $0x0  }
0x16: {  	s3 =	sld [smem:$0x3FDB];
	s0 =	simm.s32 @p2 $0x1  }
0x17: {  	s4 =	simm.s32 $0x1BF5;
	[smem:$0x3FB8] =	sst s0  }
0x18: {  	s0 =	sld [smem:$0x3F9B];
	_ =	swait.ge [sflag:s4], $0x0  }
0x19: {  	s7 =	sld [smem:$0x3F9C]  }
0x1a: {  	s8 =	sadd.s32 $0xFFFFE003, lr  }
0x1b: {  	s9 =	sadd.s32 $0xFFFFFEF7, lr;
	s5 =	simm.s32 $0xFFFFFFFF;
	p2 =	slt.u32 s8, $0xFFFFF086  }
0x1c: {  	p1 =	slt.u32 s9, $0xF7A;
	s5 =	simm.s32 @!p2 $0x0  }
0x1d: {  	s5 =	simm.s32 @p1 $0x1;
	p0 =	seq.s32 s7, s2  }
0x1e: {  	s7 =	smul.u32 @!p0 $0xF7A, s2;
	p2 =	seq.s32 @!p0 s5, $0x0  }
0x1f: {  	s9 =	smul.u32 $0xF7A, s1;
	s8 =	simm.s32 @!p0 $0x1BF5;
	p2 =	por !p2, p0  }
0x20: {  	[sflag:s8] =	ssyncset.s32 @!p0 $0xFFFFF086;
	s6 =	sadd.s32 @!p0 s3, s7;
	s7 =	simm.s32 @!p0 $0x108  }
0x21: {  	s3 =	sadd.s32 s3, s9;
	s6 =	sadd.s32 @!p0 $0x88, s6;
	s7 =	simm.s32 @p2 $0x1082  }
0x22: {  	[simem:s7], [sflag:s8] =	dma.local @!p0 [hbm:s6], $0xF7A  }
0x23: {  	s9 =	sor.u32 $0xD0000000, s2;
	s6 =	simm.s32 $0x108;
	_ =	swait.ge @!p0 [sflag:s8], $0x0  }
0x24: {  	s3 =	sadd.s32 $0x88, s3;
	s6 =	simm.s32 @!p1 $0x1082;
	[sflag:s4] =	ssyncset.s32 $0xFFFFF086  }
0x25: {  	[simem:s6], [sflag:s4] =	dma.local [hbm:s3], $0xF7A  }
0x26: {  	[smem:$0x3F9C] =	sst s1;
	(tag) =	ssettag s2;
	_ =	strace s9  }
0x27: {  	s1 =	sld [smem:$0x3FAC]  }
0x28: {  	s2 =	sld [smem:$0x3FAD]  }
0x29: {  	s4 =	sld [smem:$0x3FAF]  }
0x2a: {  	p0 =	seq.s32 s5, $0x0;
	s5 =	sld [smem:$0x3FB0]  }
0x2b: {  	s6 =	sld [smem:$0x3FB1]  }
0x2c: {  	s7 =	sld [smem:$0x3FB2]  }
0x2d: {  	s3 =	simm.s32 $0x108;
	s8 =	sld [smem:$0x3FB3]  }
0x2e: {  	s3 =	simm.s32 @!p0 $0x1082;
	s9 =	sld [smem:$0x3FB4]  }
0x2f: {  	lr =	sadd.s32 s0, s3;
	s0 =	sld [smem:$0x3FAB]  }
0x30: {  	s3 =	sld [smem:$0x3FAE]  }
0x31: {  	[smem:$0x3FB7] =	sst s10  }
0x32: {  	s10 =	sld [smem:$0x3FB5];
	_ =	sdelay $0x3  }
0x33: {  	p0 =	seq.s32 s10, $0x1;
	s10 =	sld [smem:$0x3FB7];
	_ =	sdelay $0x3  }
0x34: {  	[smem:$0x3FB7] =	sst s10  }
0x35: {  	s10 =	sld [smem:$0x3FB6];
	_ =	sdelay $0x3  }
0x36: {  	p1 =	seq.s32 s10, $0x1;
	s10 =	sld [smem:$0x3FB7];
	_ =	sdelay $0x3  }
0x37: {  	[smem:$0x3FB7] =	sst s10  }
0x38: {  	s10 =	sld [smem:$0x3FB8]  }
0x39: {  	_ = 	snop;
	(pc) =	sbr.ind lr, $3  }
0x3a: {  	_ = 	snop  }
0x3b: {  	_ = 	snop  }
0x3c: {  	p2 =	seq.s32 s10, $0x1;
	s10 =	sld [smem:$0x3FB7]  }
0x3d: {  	_ =	shalt  }
0x3e: {  	_ =	shalt  }
0x3f: {  	_ =	shalt  }
0x40: {  	_ =	shalt  }
0x41: {  	_ =	shalt  }
0x42: {  	_ =	shalt  }
0x43: {  	_ =	shalt  }
0x44: {  	_ =	shalt  }
0x45: {  	_ =	shalt  }
0x46: {  	_ =	shalt  }
0x47: {  	_ =	shalt  }
0x48: {  	_ =	shalt  }
0x49: {  	_ =	shalt  }
0x4a: {  	_ =	shalt  }
0x4b: {  	_ =	shalt  }
0x4c: {  	_ =	shalt  }
0x4d: {  	_ =	shalt  }
0x4e: {  	_ =	shalt  }
0x4f: {  	_ =	shalt  }
0x50: {  	_ =	shalt  }
0x51: {  	_ =	shalt  }
0x52: {  	_ =	shalt  }
0x53: {  	_ =	shalt  }
0x54: {  	_ =	shalt  }
0x55: {  	_ =	shalt  }
0x56: {  	_ =	shalt  }
0x57: {  	_ =	shalt  }
0x58: {  	_ =	shalt  }
0x59: {  	_ =	shalt  }
0x5a: {  	_ =	shalt  }
0x5b: {  	_ =	shalt  }
0x5c: {  	_ =	shalt  }
0x5d: {  	_ =	shalt  }
0x5e: {  	_ =	shalt  }
0x5f: {  	_ =	shalt  }
0x60: {  	_ =	shalt  }
0x61: {  	_ =	shalt  }
0x62: {  	_ =	shalt  }
0x63: {  	_ =	shalt  }
0x64: {  	_ =	shalt  }
0x65: {  	_ =	shalt  }
0x66: {  	_ =	shalt  }
0x67: {  	_ =	shalt  }
0x68: {  	_ =	shalt  }
0x69: {  	_ =	shalt  }
0x6a: {  	_ =	shalt  }
0x6b: {  	_ =	shalt  }
0x6c: {  	_ =	shalt  }
0x6d: {  	_ =	shalt  }
0x6e: {  	_ =	shalt  }
0x6f: {  	_ =	shalt  }
0x70: {  	_ =	shalt  }
0x71: {  	_ =	shalt  }
0x72: {  	_ =	shalt  }
0x73: {  	_ =	shalt  }
0x74: {  	_ =	shalt  }
0x75: {  	_ =	shalt  }
0x76: {  	_ =	shalt  }
0x77: {  	_ =	shalt  }
0x78: {  	_ =	shalt  }
0x79: {  	_ =	shalt  }
0x7a: {  	_ =	shalt  }
0x7b: {  	_ =	shalt  }
0x7c: {  	_ =	shalt  }
0x7d: {  	_ =	shalt  }
0x7e: {  	_ =	shalt  }
0x7f: {  	_ =	shalt  }
0x80: {  	_ =	shalt  }
0x81: {  	_ =	shalt  }
0x82: {  	_ =	shalt  }
0x83: {  	_ =	shalt  }
0x84: {  	_ =	shalt  }
0x85: {  	_ =	shalt  }
0x86: {  	_ =	shalt  }
0x87: {  	_ =	shalt  }
.Lfunc_end0:
.L_simem_size_0:
called_computation_lowered:
.L_overlay_start_0:
0x88: {  	s2 =	sld [smem:$0x3FD9]  }
0x89: {  	s3 =	sld [smem:$0x3FFE];
	_ =	sdelay $0x1  }
0x8a: {  	s1 =	srdreg.scid  }
0x8b: {  	s0 =	sand.u32 $0x1, s1  }
0x8c: {  	s17 =	sshll.u32 s0, $0xA;
	s2 =	sadd.s32 s3, s2  }
0x8d: {  	s2 =	sadd.s32 s2, s17  }
0x8e: {  	[smem:$0x3FC3] =	sst s2  }
0x8f: {  	_ = 	snop  }
0x90: {  	s2 =	sld [smem:$0x3FC8]  }
0x91: {  	s18 =	sld [smem:$0x3FC7]  }
0x92: {  	s4 =	sld [smem:$0x3FC6]  }
0x93: {  	s5 =	sld [smem:$0x3FD0];
	(tm) =	ssettm $0x1  }
0x94: {  	s6 =	sld [smem:$0x3FFB];
	_ =	sdelay $0x3  }
0x95: {  	_ =	strace s6  }
0x96: {  	s6 =	sld [smem:$0x3FFC];
	_ =	sdelay $0x3  }
0x97: {  	_ =	strace s6  }
0x98: {  	s6 =	sld [smem:$0x3FFD];
	_ =	sdelay $0x3  }
0x99: {  	_ =	strace s6  }
0x9a: {  	_ =	strace $0x8FFFFFFF  }
0x9b: {  	s19 =	sld [smem:$0x3FDB];
	_ =	sdelay $0x1  }
0x9c: {  	s7 =	simm.s32 $_scs_section_size  }
0x9d: {  	s8 =	simm.s32 $_size__tile_overlayer_lowered;
	s9 =	simm.s32 $_tile_overlayer_lowered  }
0x9e: {  	s22 =	simm.s32 $0x1BFF;
	s21 =	sshll.u32 s9, $0x1;
	s6 =	sadd.s32 s7, s19  }
0x9f: {  	s10 =	simm.s32 $0x0;
	s20 =	sshll.u32 s8, $0x1;
	s8 =	sadd.s32 s21, s6  }
0xa0: {  	[timem:s10], [sflag:s22] =	dma.local [hbm:s8], s20  }
0xa1: {  	_ =	swait.ge [sflag:s22], s20  }
0xa2: {  	s7 =	ssub.s32 $0x0, s20;
	[sflag:s22] =	ssyncset.done $0x0  }
0xa3: {  	[sflag:s22] =	ssyncadd.s32 s7;
	_ =	sdelay $0x1  }
0xa4: {  	s23 =	simm.s32 $0x1B8B  }
0xa5: {  	_ =	swait.ge [sflag:s23], $0x1  }
0xa6: {  	[sflag:s23] =	ssyncset.done $0x0  }
0xa7: {  	s25 =	simm.s32 $0x1B8E;
	s24 =	sld [smem:$0x3FFE];
	[sflag:s23] =	ssyncadd.s32 $0xFFFFFFFF  }
0xa8: {  	s26 =	simm.s32 $execute0_lowered;
	[smem:$0x3FD2] =	sst s25  }
0xa9: {  	s8 =	sshll.u32 s26, $0x1;
	_ =	strace $0x80000046;
	[dreg:$0x1] =	wrdreg $0xFFFFFFFF  }
0xaa: {  	s28 =	simm.s32 $_size_execute0_lowered;
	s6 =	sadd.s32 s6, s8;
	[dreg:$0x0] =	wrdreg $0x0  }
0xab: {  	s8 =	sshll.u32 s28, $0x1;
	[dreg:$0x2] =	wrdreg s6  }
0xac: {  	[dreg:$0x3] =	wrdreg s8  }
0xad: {  	[dreg:$0x4] =	wrdreg $0xC0  }
0xae: {  	_ =	task [dreg:s10], $0x5FFFF  }
0xaf: {  	[dreg:$0x1] =	wrdreg $0xFFFFFFFF  }
0xb0: {  	[dreg:$0x0] =	wrdreg $0x60  }
0xb1: {  	[dreg:$0x2] =	wrdreg s24  }
0xb2: {  	[dreg:$0x3] =	wrdreg s2  }
0xb3: {  	[dreg:$0x4] =	wrdreg s18  }
0xb4: {  	[dreg:$0x5] =	wrdreg s4  }
0xb5: {  	[dreg:$0x6] =	wrdreg s5  }
0xb6: {  	[dreg:$0x7] =	wrdreg $0x9  }
0xb7: {  	_ =	task.clear_ibuf [dreg:s10], $0x8FFFF;
	_ =	strace $0x90000046  }
0xb8: {  	s29 =	simm.s32 $0x9;
	_ =	strace $0x80000048  }
0xb9: {  	_ =	swait.ge [sflag:s29], $0x1  }
0xba: {  	[sflag:s29] =	ssyncadd.s32 $0xFFFFFFFF  }
0xbb: {  	_ =	strace $0x90000048  }
0xbc: {  	_ =	sfence  }
0xbd: {  	s30 =	sld [smem:$0x0];
	_ =	sdelay $0x2  }
0xbe: {  	s31 =	sshll.u32 s1, $0xD;
	s1 =	sshrl.u32 s1, $0x2  }
0xbf: {  	s3 =	sand.u32 $0x4000, s31;
	s1 =	sadd.s32 s1, s30  }
0xc0: {  	s0 =	sor.u32 s3, s0;
	s1 =	sshll.u32 s1, $0x11  }
0xc1: {  	s0 =	sor.u32 s1, s0  }
0xc2: {  	s0 =	sadd.s32 $0x8F2B, s0  }
0xc3: {  	[sflag:s0] =	ssyncadd.remote.s32 $0x1  }
0xc4: {  	_ =	sfence.sel $0xFFFF  }
0xc5: {  	[dreg:$0x0] =	wrdreg $0xFFFFFFFF;
	(pc) =	sbr.abs _section_cstart, $3  }
0xc6: {  	[dreg:$0x1] =	wrdreg $0xFFFFFFFF  }
0xc7: {  	_ =	task.clear_ibuf [dreg:s10], $0x2FFFF;
	_ =	strace $0x9FFFFFFF  }
0xc8: {  	(tm) =	ssettm $0x7FFFFFFF  }
0xc9: {  	_ =	shalt  }
tec
execute0_lowered:
.L_overlay_start_1:
0x0: {  	(tag) =	ssettag $0x1  }
0x1: {  	s4 =	rddreg [dreg:$0x0]  }
0x2: {  	s5 =	rddreg [dreg:$0x1]  }
0x3: {  	s6 =	rddreg [dreg:$0x2]  }
0x4: {  	s7 =	rddreg [dreg:$0x3]  }
0x5: {  	s8 =	rddreg [dreg:$0x4]  }
0x6: {  	s0 =	rddreg [dreg:$0x5];
	s1 =	simm.s32 $0x0;
	s2 =	srdreg.scid  }
0x7: {  	s13 =	simm.s32 $0x80;
	s14 =	simm.s32 $0x600;
	s15 =	simm.s32 $0x8600  }
0x8: {  	s16 =	simm.s32 $0x10600;
	s17 =	simm.s32 $0x4600;
	s18 =	simm.s32 $0xC600  }
0x9: {  	s19 =	simm.s32 $0x14600;
	s20 =	simm.s32 $0x1;
	s21 =	simm.s32 $0x18600  }
0xa: {  	s22 =	simm.s32 $0x0;
	[smem:$0x7FF] =	sst s1;
	s9 =	sand.u32 $0x1, s2  }
0xb: {  	s3 =	sadd.s32 $0xF46C00, s4;
	s2 =	stileid.u32;
	s4 =	sadd.s32 $0x800, s4  }
0xc: {  	s10 =	ssub.s32 $0x2, s9;
	s12 =	sshll.u32 s2, $0x7;
	s9 =	sshll.u32 s9, $0x6  }
0xd: {  	_ =	strace $0x80000047;
	s11 =	sshrl.u32 s10, $0x1;
	s9 =	sor.u32 s9, s12  }
0xe: {  	s12 =	simm.s32 $0x400;
	s10 =	ssub.s32 s10, s11;
	s5 =	sadd.s32 s5, s9  }
0xf: {  	v0 =	vlaneseq.u32;
	s6 =	sadd.s32 s6, s9;
	s7 =	sadd.s32 s7, s9;
	s8 =	sadd.s32 s8, s9  }
0x10: {  	v55 =	vmul.u32 $0x80, v0;
	s11 =	simm.s32 $0x200;
	s9 =	smax.u32 s10, $0x1;
	s10 =	simm.s32 $0x2  }
.LBB2_1:
0x11: {  	[tilespmem:s1], [sflag:$0x2] =	stream.linear.gather [hbm4b:s5+s1], $0x200, $0x38;
	[tilespmem:$0x18800] =	vst v63  }
0x12: {  	_ =	swait.ge [sflag:s10], $0x200  }
0x13: {  	[sflag:s10] =	ssyncset.done $0x0  }
0x14: {  	[sflag:s10] =	ssyncadd.s32 $0xFFFFFE00  }
0x15: {  	[tilespmem:s11], [sflag:$0x2] =	stream.linear.gather [hbm4b:s6+s1], $0x200, $0x38;
	[tilespmem:$0x18800] =	vst v63  }
0x16: {  	_ =	swait.ge [sflag:s10], $0x200  }
0x17: {  	[sflag:s10] =	ssyncset.done $0x0  }
0x18: {  	[sflag:s10] =	ssyncadd.s32 $0xFFFFFE00  }
0x19: {  	[tilespmem:s12], [sflag:$0x2] =	stream.linear.gather [hbm4b:s7+s1], $0x200, $0x38;
	[tilespmem:$0x18800] =	vst v63  }
0x1a: {  	_ =	swait.ge [sflag:s10], $0x200  }
0x1b: {  	[sflag:s10] =	ssyncset.done $0x0  }
0x1c: {  	p1 =	por $0x1, $0x1;
	s24 =	simm.s32 $0x0;
	[sflag:s10] =	ssyncadd.s32 $0xFFFFFE00  }
.LBB2_2:
0x1d: {  	[tilespmem:s14], [sflag:$0x1] =	stream.indirect.gather [hbm4b:s3+s13], $0x80, s24, s13, $0xb8;
	[tilespmem:$0x18800] =	vst v63  }
0x1e: {  	s23 =	sadd.s32 $0x200, s24  }
0x1f: {  	[tilespmem:s15], [sflag:$0x1] =	stream.indirect.gather [hbm4b:s4+s13], $0x80, s23, s13, $0xb8;
	[tilespmem:$0x18800] =	vst v63  }
0x20: {  	s28 =	sadd.s32 $0x400, s24  }
0x21: {  	[tilespmem:s16], [sflag:$0x1] =	stream.indirect.gather [hbm4b:s3+s13], $0x80, s28, s13, $0xb8;
	[tilespmem:$0x18800] =	vst v63  }
0x22: {  	s29 =	sor.u32 $0x80, s24  }
0x23: {  	[tilespmem:s17], [sflag:$0x1] =	stream.indirect.gather [hbm4b:s3+s13], $0x80, s29, s13, $0xb8;
	[tilespmem:$0x18800] =	vst v63  }
0x24: {  	s30 =	sadd.s32 $0x280, s24  }
0x25: {  	[tilespmem:s18], [sflag:$0x1] =	stream.indirect.gather [hbm4b:s4+s13], $0x80, s30, s13, $0xb8;
	[tilespmem:$0x18800] =	vst v63  }
0x26: {  	s31 =	sadd.s32 $0x480, s24  }
0x27: {  	[tilespmem:s19], [sflag:$0x1] =	stream.indirect.gather [hbm4b:s3+s13], $0x80, s31, s13, $0xb8;
	[tilespmem:$0x18800] =	vst v63  }
0x28: {  	_ =	swait.ge [sflag:s20], $0x4000  }
0x29: {  	[sflag:s20] =	ssyncset.done $0x0  }
0x2a: {  	[sflag:s20] =	ssyncadd.s32 $0xFFFFC000  }
0x2b: {  	_ =	swait.ge [sflag:s20], $0x4000  }
0x2c: {  	[sflag:s20] =	ssyncset.done $0x0  }
0x2d: {  	[sflag:s20] =	ssyncadd.s32 $0xFFFFC000  }
0x2e: {  	_ =	swait.ge [sflag:s20], $0x4000  }
0x2f: {  	[sflag:s20] =	ssyncset.done $0x0  }
0x30: {  	[sflag:s20] =	ssyncadd.s32 $0xFFFFC000  }
0x31: {  	s23 =	simm.s32 $0x0;
	_ =	swait.ge [sflag:s20], $0x4000  }
0x32: {  	v0 =	vmov s23;
	[sflag:s20] =	ssyncset.done $0x0  }
0x33: {  	v0 =	vshll.u32 v0, $0x7;
	[sflag:s20] =	ssyncadd.s32 $0xFFFFC000  }
0x34: {  	v6 =	vor.u32 v55, v0;
	_ =	swait.ge [sflag:s20], $0x4000  }
0x35: {  	v0 =	vor.u32 $0x3E, v6;
	[sflag:s20] =	ssyncset.done $0x0  }
0x36: {  	v1 =	vor.u32 $0x3D, v6;
	[sflag:s20] =	ssyncadd.s32 $0xFFFFC000  }
0x37: {  	_ =	swait.ge [sflag:s20], $0x4000  }
0x38: {  	[sflag:s20] =	ssyncset.done $0x0  }
0x39: {  	[sflag:s20] =	ssyncadd.s32 $0xFFFFC000  }
0x3a: {  	v36 =	vld.idx.msk [tilespmem:v0+s16+$0x0], $0xffff  }
0x3b: {  	v2 =	vor.u32 $0x3C, v6;
	[tilespmem:$0x1FBD0] =	vst v0;
	v0 =	vld.idx.msk [tilespmem:v1+s16+$0x0], $0xffff;
	_ =	sdelay $0x4  }
0x3c: {  	v3 =	vor.u32 $0x3B, v6;
	[tilespmem:$0x1FBF0] =	vst v0;
	v0 =	vld.idx.msk [tilespmem:v2+s16+$0x0], $0xffff;
	_ =	sdelay $0x4  }
0x3d: {  	v4 =	vor.u32 $0x3A, v6;
	[tilespmem:$0x1FC10] =	vst v0;
	v0 =	vld.idx.msk [tilespmem:v3+s16+$0x0], $0xffff;
	_ =	sdelay $0x4  }
0x3e: {  	v5 =	vor.u32 $0x39, v6;
	[tilespmem:$0x1FC30] =	vst v0;
	v0 =	vld.idx.msk [tilespmem:v4+s16+$0x0], $0xffff;
	_ =	sdelay $0x4  }
0x3f: {  	v7 =	vor.u32 $0x38, v6;
	[tilespmem:$0x1FC50] =	vst v0;
	v0 =	vld.idx.msk [tilespmem:v5+s16+$0x0], $0xffff;
	_ =	sdelay $0x3  }
0x40: {  	[tilespmem:$0x1FBE0] =	vst v1  }
0x41: {  	v1 =	vor.u32 $0x37, v6;
	[tilespmem:$0x1FC70] =	vst v0;
	v0 =	vld.idx.msk [tilespmem:v7+s16+$0x0], $0xffff;
	_ =	sdelay $0x3  }
0x42: {  	[tilespmem:$0x1FC00] =	vst v2  }
0x43: {  	v2 =	vor.u32 $0x36, v6;
	[tilespmem:$0x1FC90] =	vst v0;
	v0 =	vld.idx.msk [tilespmem:v1+s16+$0x0], $0xffff;
	_ =	sdelay $0x3  }
0x44: {  	[tilespmem:$0x1FC20] =	vst v3  }
0x45: {  	v3 =	vor.u32 $0x35, v6;
	[tilespmem:$0x1FCB0] =	vst v0;
	v0 =	vld.idx.msk [tilespmem:v2+s16+$0x0], $0xffff;
	_ =	sdelay $0x3  }
0x46: {  	[tilespmem:$0x1FC40] =	vst v4  }
0x47: {  	v4 =	vor.u32 $0x34, v6;
	[tilespmem:$0x1FCD0] =	vst v0;
	v0 =	vld.idx.msk [tilespmem:v3+s16+$0x0], $0xffff;
	_ =	sdelay $0x3  }
0x48: {  	[tilespmem:$0x1FC60] =	vst v5  }
0x49: {  	v5 =	vor.u32 $0x33, v6;
	[tilespmem:$0x1FCF0] =	vst v0;
	v0 =	vld.idx.msk [tilespmem:v4+s16+$0x0], $0xffff;
	_ =	sdelay $0x3  }
0x4a: {  	[tilespmem:$0x1FC80] =	vst v7  }
0x4b: {  	v7 =	vor.u32 $0x32, v6;
	[tilespmem:$0x1FD10] =	vst v0;
	v0 =	vld.idx.msk [tilespmem:v5+s16+$0x0], $0xffff;
	_ =	sdelay $0x3  }
0x4c: {  	[tilespmem:$0x1FCA0] =	vst v1  }
0x4d: {  	v1 =	vor.u32 $0x31, v6;
	[tilespmem:$0x1FD30] =	vst v0;
	v0 =	vld.idx.msk [tilespmem:v7+s16+$0x0], $0xffff;
	_ =	sdelay $0x3  }
0x4e: {  	[tilespmem:$0x1FCC0] =	vst v2  }
0x4f: {  	v2 =	vor.u32 $0x30, v6;
	[tilespmem:$0x1FD50] =	vst v0;
	v0 =	vld.idx.msk [tilespmem:v1+s16+$0x0], $0xffff;
	_ =	sdelay $0x3  }
0x50: {  	[tilespmem:$0x1FCE0] =	vst v3  }
0x51: {  	v3 =	vor.u32 $0x2F, v6;
	[tilespmem:$0x1FD70] =	vst v0;
	v0 =	vld.idx.msk [tilespmem:v2+s16+$0x0], $0xffff;
	_ =	sdelay $0x3  }
0x52: {  	[tilespmem:$0x1FD00] =	vst v4  }
0x53: {  	v4 =	vor.u32 $0x2E, v6;
	[tilespmem:$0x1FD90] =	vst v0;
	v0 =	vld.idx.msk [tilespmem:v3+s16+$0x0], $0xffff;
	_ =	sdelay $0x3  }
0x54: {  	[tilespmem:$0x1FD20] =	vst v5  }
0x55: {  	v5 =	vor.u32 $0x2D, v6;
	[tilespmem:$0x1FDB0] =	vst v0;
	v0 =	vld.idx.msk [tilespmem:v4+s16+$0x0], $0xffff;
	_ =	sdelay $0x3  }
0x56: {  	[tilespmem:$0x1FD40] =	vst v7  }
0x57: {  	v7 =	vor.u32 $0x2C, v6;
	[tilespmem:$0x1FDD0] =	vst v0;
	v0 =	vld.idx.msk [tilespmem:v5+s16+$0x0], $0xffff;
	_ =	sdelay $0x3  }
0x58: {  	[tilespmem:$0x1FD60] =	vst v1  }
0x59: {  	v1 =	vor.u32 $0x2B, v6;
	[tilespmem:$0x1FDF0] =	vst v0;
	v0 =	vld.idx.msk [tilespmem:v7+s16+$0x0], $0xffff;
	_ =	sdelay $0x3  }
0x5a: {  	[tilespmem:$0x1FD80] =	vst v2  }
0x5b: {  	v2 =	vor.u32 $0x2A, v6;
	[tilespmem:$0x1FE10] =	vst v0;
	v0 =	vld.idx.msk [tilespmem:v1+s16+$0x0], $0xffff;
	_ =	sdelay $0x3  }
0x5c: {  	[tilespmem:$0x1FDA0] =	vst v3  }
0x5d: {  	v3 =	vor.u32 $0x29, v6;
	[tilespmem:$0x1FE30] =	vst v0;
	v0 =	vld.idx.msk [tilespmem:v2+s16+$0x0], $0xffff;
	_ =	sdelay $0x3  }
0x5e: {  	[tilespmem:$0x1FDC0] =	vst v4  }
0x5f: {  	v4 =	vor.u32 $0x28, v6;
	[tilespmem:$0x1FE50] =	vst v0;
	v0 =	vld.idx.msk [tilespmem:v3+s16+$0x0], $0xffff;
	_ =	sdelay $0x3  }
0x60: {  	[tilespmem:$0x1FDE0] =	vst v5  }
0x61: {  	v5 =	vor.u32 $0x27, v6;
	[tilespmem:$0x1FE70] =	vst v0;
	v0 =	vld.idx.msk [tilespmem:v4+s16+$0x0], $0xffff;
	_ =	sdelay $0x3  }
0x62: {  	[tilespmem:$0x1FE00] =	vst v7  }
0x63: {  	v7 =	vor.u32 $0x26, v6;
	[tilespmem:$0x1FE90] =	vst v0;
	v0 =	vld.idx.msk [tilespmem:v5+s16+$0x0], $0xffff;
	_ =	sdelay $0x3  }
0x64: {  	[tilespmem:$0x1FE20] =	vst v1  }
0x65: {  	v1 =	vor.u32 $0x25, v6;
	[tilespmem:$0x1FEB0] =	vst v0;
	v0 =	vld.idx.msk [tilespmem:v7+s16+$0x0], $0xffff;
	_ =	sdelay $0x3  }
0x66: {  	[tilespmem:$0x1FE40] =	vst v2  }
0x67: {  	v2 =	vor.u32 $0x24, v6;
	[tilespmem:$0x1FED0] =	vst v0;
	v0 =	vld.idx.msk [tilespmem:v1+s16+$0x0], $0xffff;
	_ =	sdelay $0x4  }
0x68: {  	v57 =	vor.u32 $0x23, v6;
	[tilespmem:$0x1FEF0] =	vst v0;
	v0 =	vld.idx.msk [tilespmem:v2+s16+$0x0], $0xffff;
	_ =	sdelay $0x4  }
0x69: {  	v59 =	vor.u32 $0x22, v6;
	[tilespmem:$0x1FF10] =	vst v0;
	v0 =	vld.idx.msk [tilespmem:v57+s16+$0x0], $0xffff;
	_ =	sdelay $0x4  }
0x6a: {  	v61 =	vor.u32 $0x21, v6;
	[tilespmem:$0x1FF20] =	vst v0;
	v0 =	vld.idx.msk [tilespmem:v59+s16+$0x0], $0xffff;
	_ =	sdelay $0x4  }
0x6b: {  	v63 =	vor.u32 $0x20, v6;
	[tilespmem:$0x1FF30] =	vst v0;
	v0 =	vld.idx.msk [tilespmem:v61+s16+$0x0], $0xffff;
	_ =	sdelay $0x3  }
0x6c: {  	[tilespmem:$0x1FEE0] =	vst v1  }
0x6d: {  	v1 =	vor.u32 $0x1F, v6;
	[tilespmem:$0x1FF40] =	vst v0;
	v0 =	vld.idx.msk [tilespmem:v63+s16+$0x0], $0xffff;
	_ =	sdelay $0x3  }
0x6e: {  	[tilespmem:$0x1FEA0] =	vst v5  }
0x6f: {  	v5 =	vor.u32 $0x1E, v6;
	[tilespmem:$0x1FF50] =	vst v0;
	v0 =	vld.idx.msk [tilespmem:v1+s16+$0x0], $0xffff;
	_ =	sdelay $0x4  }
0x70: {  	v9 =	vor.u32 $0x1D, v6;
	[tilespmem:$0x1FF60] =	vst v0;
	v0 =	vld.idx.msk [tilespmem:v5+s16+$0x0], $0xffff;
	_ =	sdelay $0x4  }
0x71: {  	v14 =	vor.u32 $0x1C, v6;
	[tilespmem:$0x1FF70] =	vst v0;
	v0 =	vld.idx.msk [tilespmem:v9+s16+$0x0], $0xffff;
	_ =	sdelay $0x4  }
0x72: {  	v18 =	vor.u32 $0x1B, v6;
	[tilespmem:$0x1FF80] =	vst v0;
	v0 =	vld.idx.msk [tilespmem:v14+s16+$0x0], $0xffff;
	_ =	sdelay $0x4  }
0x73: {  	v22 =	vor.u32 $0x1A, v6;
	[tilespmem:$0x1FF90] =	vst v0;
	v0 =	vld.idx.msk [tilespmem:v18+s16+$0x0], $0xffff;
	_ =	sdelay $0x4  }
0x74: {  	v26 =	vor.u32 $0x19, v6;
	[tilespmem:$0x1FFA0] =	vst v0;
	v0 =	vld.idx.msk [tilespmem:v22+s16+$0x0], $0xffff  }
0x75: {  	v42 =	vor.u32 $0x15, v6  }
0x76: {  	v46 =	vor.u32 $0x14, v6  }
0x77: {  	v10 =	vor.u32 $0x11, v6  }
0x78: {  	v12 =	vor.u32 $0x10, v6  }
0x79: {  	v30 =	vor.u32 $0x18, v6;
	[tilespmem:$0x1FFB0] =	vst v0;
	v0 =	vld.idx.msk [tilespmem:v26+s16+$0x0], $0xffff  }
0x7a: {  	v54 =	vor.u32 $0xF, v6;
	v40 =	vld.idx.msk [tilespmem:v42+s16+$0x0], $0xffff  }
0x7b: {  	v56 =	vor.u32 $0xE, v6;
	v44 =	vld.idx.msk [tilespmem:v46+s16+$0x0], $0xffff  }
0x7c: {  	v19 =	vor.u32 $0xD, v6;
	v50 =	vld.idx.msk [tilespmem:v10+s16+$0x0], $0xffff  }
0x7d: {  	v21 =	vor.u32 $0xC, v6;
	v52 =	vld.idx.msk [tilespmem:v12+s16+$0x0], $0xffff  }
0x7e: {  	v34 =	vor.u32 $0x17, v6;
	[tilespmem:$0x1FFC0] =	vst v0;
	v0 =	vld.idx.msk [tilespmem:v30+s16+$0x0], $0xffff  }
0x7f: {  	v23 =	vor.u32 $0xB, v6;
	v13 =	vld.idx.msk [tilespmem:v54+s16+$0x0], $0xffff  }
0x80: {  	v62 =	vor.u32 $0xA, v6;
	v15 =	vld.idx.msk [tilespmem:v56+s16+$0x0], $0xffff  }
0x81: {  	v29 =	vor.u32 $0x9, v6;
	v17 =	vld.idx.msk [tilespmem:v19+s16+$0x0], $0xffff  }
0x82: {  	v8 =	vor.u32 $0x7, v6;
	v58 =	vld.idx.msk [tilespmem:v21+s16+$0x0], $0xffff  }
0x83: {  	v38 =	vor.u32 $0x16, v6;
	[tilespmem:$0x1FFD0] =	vst v0;
	v0 =	vld.idx.msk [tilespmem:v34+s16+$0x0], $0xffff  }
0x84: {  	v35 =	vor.u32 $0x6, v6;
	v60 =	vld.idx.msk [tilespmem:v23+s16+$0x0], $0xffff  }
0x85: {  	v11 =	vor.u32 $0x5, v6;
	v25 =	vld.idx.msk [tilespmem:v62+s16+$0x0], $0xffff;
	[tilespmem:$0x1FE60] =	vst v3  }
0x86: {  	v27 =	vld.idx.msk [tilespmem:v29+s16+$0x0], $0xffff;
	[tilespmem:$0x1FEC0] =	vst v7;
	v7 =	vor.u32 $0x12, v6  }
0x87: {  	v31 =	vld.idx.msk [tilespmem:v8+s16+$0x0], $0xffff;
	[tilespmem:$0x1FE80] =	vst v4;
	v4 =	vor.u32 $0x13, v6  }
0x88: {  	v3 =	vor.u32 $0x8, v6;
	[tilespmem:$0x1FFE0] =	vst v0;
	v0 =	vld.idx.msk [tilespmem:v38+s16+$0x0], $0xffff  }
0x89: {  	v33 =	vld.idx.msk [tilespmem:v35+s16+$0x0], $0xffff  }
0x8a: {  	v37 =	vld.idx.msk [tilespmem:v11+s16+$0x0], $0xffff  }
0x8b: {  	v48 =	vld.idx.msk [tilespmem:v7+s16+$0x0], $0xffff  }
0x8c: {  	v39 =	vor.u32 $0x4, v6;
	[tilespmem:$0x1FF00] =	vst v2;
	v2 =	vld.idx.msk [tilespmem:v4+s16+$0x0], $0xffff  }
0x8d: {  	p0 =	por p1, p1;
	s24 =	sadd.s32 $0x18600, s24;
	s25 =	simm.s32 $0x10;
	v16 =	vor.u32 $0x3, v6;
	v41 =	vor.u32 $0x2, v6;
	v43 =	vor.u32 $0x1, v6;
	[tilespmem:$0x1FFF0] =	vst v0;
	v0 =	vld.idx.msk [tilespmem:v3+s16+$0x0], $0xffff  }
.LBB2_3:
0x8e: {  	_ =	sdelay $0x2  }
0x8f: {  	v20 =	vld.idx.msk [tilespmem:v39+s16+$0x0], $0xffff  }
0x90: {  	v45 =	vld.idx.msk [tilespmem:v16+s16+$0x0], $0xffff  }
0x91: {  	v24 =	vld.idx.msk [tilespmem:v41+s16+$0x0], $0xffff  }
0x92: {  	v47 =	vld.idx.msk [tilespmem:v43+s16+$0x0], $0xffff  }
0x93: {  	v49 =	vld.idx.msk [tilespmem:v6+s16+$0x0], $0xffff  }
0x94: {  	v28 =	vld.idx.msk [tilespmem:v6+s15+$0x0], $0xffff  }
0x95: {  	v51 =	vld.idx.msk [tilespmem:v6+s14+$0x0], $0xffff  }
0x96: {  	v32 =	vld.idx.msk [tilespmem:v43+s14+$0x0], $0xffff  }
0x97: {  	v43 =	vld.idx.msk [tilespmem:v43+s15+$0x0], $0xffff  }
0x98: {  	v53 =	vld.idx.msk [tilespmem:v41+s14+$0x0], $0xffff  }
0x99: {  	v41 =	vld.idx.msk [tilespmem:v41+s15+$0x0], $0xffff  }
0x9a: {  	[tilespmem:$0x1FBC0] =	vst v36;
	v36 =	vmov v55;
	v55 =	vld.idx.msk [tilespmem:v16+s14+$0x0], $0xffff;
	v28 =	vmul.f32 v28, v51  }
0x9b: {  	v16 =	vld.idx.msk [tilespmem:v16+s15+$0x0], $0xffff  }
0x9c: {  	v51 =	vld.idx.msk [tilespmem:v39+s14+$0x0], $0xffff;
	v32 =	vmul.f32 v43, v32;
	v28 =	vmul.f32 v49, v28  }
0x9d: {  	v39 =	vld.idx.msk [tilespmem:v39+s15+$0x0], $0xffff  }
0x9e: {  	v43 =	vld.idx.msk [tilespmem:v11+s14+$0x0], $0xffff;
	v41 =	vmul.f32 v41, v53;
	v32 =	vmul.f32 v47, v32;
	v28 =	vadd.f32 $0.0e+00, v28  }
0x9f: {  	v11 =	vld.idx.msk [tilespmem:v11+s15+$0x0], $0xffff  }
0xa0: {  	v16 =	vmul.f32 v16, v55;
	v47 =	vld.idx.msk [tilespmem:v35+s14+$0x0], $0xffff;
	v24 =	vmul.f32 v24, v41;
	v28 =	vadd.f32 v32, v28  }
0xa1: {  	v32 =	vld.idx.msk [tilespmem:v35+s15+$0x0], $0xffff  }
0xa2: {  	v49 =	vld.idx.msk [tilespmem:v8+s14+$0x0], $0xffff;
	v16 =	vmul.f32 v45, v16;
	v24 =	vadd.f32 v24, v28;
	v28 =	vmul.f32 v39, v51  }
0xa3: {  	v8 =	vld.idx.msk [tilespmem:v8+s15+$0x0], $0xffff  }
0xa4: {  	v53 =	vld.idx.msk [tilespmem:v3+s14+$0x0], $0xffff;
	v11 =	vmul.f32 v11, v43;
	v16 =	vadd.f32 v16, v24;
	v20 =	vmul.f32 v20, v28  }
0xa5: {  	v3 =	vld.idx.msk [tilespmem:v3+s15+$0x0], $0xffff  }
0xa6: {  	v11 =	vmul.f32 v37, v11;
	v24 =	vld.idx.msk [tilespmem:v29+s14+$0x0], $0xffff;
	v16 =	vadd.f32 v20, v16;
	v20 =	vmul.f32 v32, v47  }
0xa7: {  	v28 =	vld.idx.msk [tilespmem:v29+s15+$0x0], $0xffff  }
0xa8: {  	v8 =	vmul.f32 v8, v49;
	v29 =	vld.idx.msk [tilespmem:v62+s14+$0x0], $0xffff;
	v11 =	vadd.f32 v11, v16;
	v16 =	vmul.f32 v33, v20  }
0xa9: {  	v20 =	vld.idx.msk [tilespmem:v62+s15+$0x0], $0xffff  }
0xaa: {  	v3 =	vmul.f32 v3, v53;
	v8 =	vmul.f32 v31, v8;
	v62 =	vld.idx.msk [tilespmem:v23+s14+$0x0], $0xffff;
	v11 =	vadd.f32 v16, v11  }
0xab: {  	v16 =	vld.idx.msk [tilespmem:v23+s15+$0x0], $0xffff  }
0xac: {  	v0 =	vmul.f32 v0, v3;
	v3 =	vmul.f32 v28, v24;
	v23 =	vld.idx.msk [tilespmem:v21+s14+$0x0], $0xffff;
	v8 =	vadd.f32 v8, v11  }
0xad: {  	v11 =	vld.idx.msk [tilespmem:v21+s15+$0x0], $0xffff  }
0xae: {  	v3 =	vmul.f32 v27, v3;
	v21 =	vld.idx.msk [tilespmem:v19+s14+$0x0], $0xffff;
	v0 =	vadd.f32 v0, v8;
	v8 =	vmul.f32 v20, v29  }
0xaf: {  	v19 =	vld.idx.msk [tilespmem:v19+s15+$0x0], $0xffff  }
0xb0: {  	v20 =	vld.idx.msk [tilespmem:v56+s14+$0x0], $0xffff;
	v0 =	vadd.f32 v3, v0;
	v3 =	vmul.f32 v25, v8;
	v8 =	vmul.f32 v16, v62  }
0xb1: {  	v16 =	vld.idx.msk [tilespmem:v56+s15+$0x0], $0xffff  }
0xb2: {  	v24 =	vld.idx.msk [tilespmem:v54+s14+$0x0], $0xffff;
	v0 =	vadd.f32 v3, v0;
	v3 =	vmul.f32 v60, v8;
	v8 =	vmul.f32 v11, v23  }
0xb3: {  	v11 =	vld.idx.msk [tilespmem:v54+s15+$0x0], $0xffff  }
0xb4: {  	v23 =	vld.idx.msk [tilespmem:v12+s14+$0x0], $0xffff;
	v0 =	vadd.f32 v3, v0;
	v3 =	vmul.f32 v58, v8;
	v8 =	vmul.f32 v19, v21  }
0xb5: {  	v12 =	vld.idx.msk [tilespmem:v12+s15+$0x0], $0xffff  }
0xb6: {  	v19 =	vld.idx.msk [tilespmem:v10+s14+$0x0], $0xffff;
	v0 =	vadd.f32 v3, v0;
	v3 =	vmul.f32 v17, v8;
	v8 =	vmul.f32 v16, v20  }
0xb7: {  	v10 =	vld.idx.msk [tilespmem:v10+s15+$0x0], $0xffff  }
0xb8: {  	v16 =	vld.idx.msk [tilespmem:v7+s14+$0x0], $0xffff;
	v0 =	vadd.f32 v3, v0;
	v3 =	vmul.f32 v15, v8;
	v8 =	vmul.f32 v11, v24  }
0xb9: {  	v7 =	vld.idx.msk [tilespmem:v7+s15+$0x0], $0xffff  }
0xba: {  	v11 =	vld.idx.msk [tilespmem:v4+s14+$0x0], $0xffff;
	v0 =	vadd.f32 v3, v0;
	v3 =	vmul.f32 v13, v8;
	v8 =	vmul.f32 v12, v23  }
0xbb: {  	v4 =	vld.idx.msk [tilespmem:v4+s15+$0x0], $0xffff  }
0xbc: {  	v12 =	vld.idx.msk [tilespmem:v46+s14+$0x0], $0xffff;
	v0 =	vadd.f32 v3, v0;
	v3 =	vmul.f32 v52, v8;
	v8 =	vmul.f32 v10, v19  }
0xbd: {  	v10 =	vld.idx.msk [tilespmem:v46+s15+$0x0], $0xffff  }
0xbe: {  	v13 =	vld.idx.msk [tilespmem:v42+s14+$0x0], $0xffff;
	v7 =	vmul.f32 v7, v16;
	v0 =	vadd.f32 v3, v0;
	v3 =	vmul.f32 v50, v8  }
0xbf: {  	v8 =	vld.idx.msk [tilespmem:v42+s15+$0x0], $0xffff  }
0xc0: {  	v4 =	vmul.f32 v4, v11;
	v0 =	vadd.f32 v3, v0;
	v3 =	vmul.f32 v48, v7;
	_ =	sdelay $0x1  }
0xc1: {  	v2 =	vmul.f32 v2, v4;
	v0 =	vadd.f32 v3, v0;
	v3 =	vmul.f32 v10, v12;
	_ =	sdelay $0x1  }
0xc2: {  	v0 =	vadd.f32 v2, v0;
	v2 =	vmul.f32 v44, v3;
	v3 =	vmul.f32 v8, v13  }
0xc3: {  	v15 =	vld.idx.msk [tilespmem:v38+s14+$0x0], $0xffff  }
0xc4: {  	v7 =	vld.idx.msk [tilespmem:v38+s15+$0x0], $0xffff;
	v0 =	vadd.f32 v2, v0;
	v2 =	vmul.f32 v40, v3;
	_ =	sdelay $0x1  }
0xc5: {  	v0 =	vadd.f32 v2, v0;
	v2 =	vld [tilespmem:$0x1FFF0];
	_ =	sdelay $0x2  }
0xc6: {  	v3 =	vmul.f32 v7, v15  }
0xc7: {  	v11 =	vld.idx.msk [tilespmem:v34+s14+$0x0], $0xffff  }
0xc8: {  	v4 =	vld.idx.msk [tilespmem:v34+s15+$0x0], $0xffff;
	v2 =	vmul.f32 v2, v3;
	_ =	sdelay $0x1  }
0xc9: {  	v0 =	vadd.f32 v2, v0;
	v2 =	vld [tilespmem:$0x1FFE0];
	_ =	sdelay $0x2  }
0xca: {  	v3 =	vmul.f32 v4, v11  }
0xcb: {  	v10 =	vld.idx.msk [tilespmem:v30+s14+$0x0], $0xffff  }
0xcc: {  	v8 =	vld.idx.msk [tilespmem:v30+s15+$0x0], $0xffff;
	v2 =	vmul.f32 v2, v3;
	_ =	sdelay $0x1  }
0xcd: {  	v0 =	vadd.f32 v2, v0;
	v2 =	vld [tilespmem:$0x1FFD0];
	_ =	sdelay $0x2  }
0xce: {  	v3 =	vmul.f32 v8, v10  }
0xcf: {  	v12 =	vld.idx.msk [tilespmem:v26+s14+$0x0], $0xffff  }
0xd0: {  	v7 =	vld.idx.msk [tilespmem:v26+s15+$0x0], $0xffff;
	v2 =	vmul.f32 v2, v3;
	_ =	sdelay $0x1  }
0xd1: {  	v0 =	vadd.f32 v2, v0;
	v2 =	vld [tilespmem:$0x1FFC0];
	_ =	sdelay $0x2  }
0xd2: {  	v3 =	vmul.f32 v7, v12  }
0xd3: {  	v13 =	vld.idx.msk [tilespmem:v22+s14+$0x0], $0xffff  }
0xd4: {  	v4 =	vld.idx.msk [tilespmem:v22+s15+$0x0], $0xffff;
	v2 =	vmul.f32 v2, v3;
	_ =	sdelay $0x1  }
0xd5: {  	v0 =	vadd.f32 v2, v0;
	v2 =	vld [tilespmem:$0x1FFB0];
	_ =	sdelay $0x2  }
0xd6: {  	v3 =	vmul.f32 v4, v13  }
0xd7: {  	v11 =	vld.idx.msk [tilespmem:v18+s14+$0x0], $0xffff  }
0xd8: {  	v8 =	vld.idx.msk [tilespmem:v18+s15+$0x0], $0xffff;
	v2 =	vmul.f32 v2, v3;
	_ =	sdelay $0x1  }
0xd9: {  	v0 =	vadd.f32 v2, v0;
	v2 =	vld [tilespmem:$0x1FFA0];
	_ =	sdelay $0x2  }
0xda: {  	v3 =	vmul.f32 v8, v11  }
0xdb: {  	v10 =	vld.idx.msk [tilespmem:v14+s14+$0x0], $0xffff  }
0xdc: {  	v7 =	vld.idx.msk [tilespmem:v14+s15+$0x0], $0xffff;
	v2 =	vmul.f32 v2, v3;
	_ =	sdelay $0x1  }
0xdd: {  	v0 =	vadd.f32 v2, v0;
	v2 =	vld [tilespmem:$0x1FF90];
	_ =	sdelay $0x2  }
0xde: {  	v3 =	vmul.f32 v7, v10  }
0xdf: {  	v12 =	vld.idx.msk [tilespmem:v9+s14+$0x0], $0xffff  }
0xe0: {  	v4 =	vld.idx.msk [tilespmem:v9+s15+$0x0], $0xffff;
	v2 =	vmul.f32 v2, v3;
	_ =	sdelay $0x1  }
0xe1: {  	v0 =	vadd.f32 v2, v0;
	v2 =	vld [tilespmem:$0x1FF80];
	_ =	sdelay $0x2  }
0xe2: {  	v3 =	vmul.f32 v4, v12  }
0xe3: {  	v9 =	vld.idx.msk [tilespmem:v5+s14+$0x0], $0xffff  }
0xe4: {  	v5 =	vld.idx.msk [tilespmem:v5+s15+$0x0], $0xffff;
	v2 =	vmul.f32 v2, v3;
	_ =	sdelay $0x1  }
0xe5: {  	v0 =	vadd.f32 v2, v0;
	v2 =	vld [tilespmem:$0x1FF70];
	_ =	sdelay $0x2  }
0xe6: {  	v3 =	vmul.f32 v5, v9  }
0xe7: {  	v8 =	vld.idx.msk [tilespmem:v1+s14+$0x0], $0xffff  }
0xe8: {  	v1 =	vld.idx.msk [tilespmem:v1+s15+$0x0], $0xffff;
	v2 =	vmul.f32 v2, v3;
	_ =	sdelay $0x1  }
0xe9: {  	v0 =	vadd.f32 v2, v0;
	v2 =	vld [tilespmem:$0x1FF60];
	_ =	sdelay $0x1  }
0xea: {  	v11 =	vld [tilespmem:$0x1FF00]  }
0xeb: {  	v1 =	vmul.f32 v1, v8;
	v7 =	vld.idx.msk [tilespmem:v63+s14+$0x0], $0xffff  }
0xec: {  	v10 =	vld.idx.msk [tilespmem:v61+s14+$0x0], $0xffff  }
0xed: {  	v4 =	vld.idx.msk [tilespmem:v63+s15+$0x0], $0xffff;
	v1 =	vmul.f32 v2, v1  }
0xee: {  	v5 =	vld.idx.msk [tilespmem:v61+s15+$0x0], $0xffff  }
0xef: {  	v0 =	vadd.f32 v1, v0;
	v1 =	vld [tilespmem:$0x1FF50];
	_ =	sdelay $0x2  }
0xf0: {  	v2 =	vmul.f32 v4, v7  }
0xf1: {  	v7 =	vld.idx.msk [tilespmem:v11+s14+$0x0], $0xffff  }
0xf2: {  	v1 =	vmul.f32 v1, v2;
	v2 =	vmul.f32 v5, v10;
	v5 =	vld.idx.msk [tilespmem:v11+s15+$0x0], $0xffff  }
0xf3: {  	v11 =	vld [tilespmem:$0x1FEE0];
	_ =	sdelay $0x1  }
0xf4: {  	v9 =	vld.idx.msk [tilespmem:v59+s14+$0x0], $0xffff  }
0xf5: {  	v3 =	vld.idx.msk [tilespmem:v59+s15+$0x0], $0xffff  }
0xf6: {  	v0 =	vadd.f32 v1, v0;
	v1 =	vld [tilespmem:$0x1FF40];
	_ =	sdelay $0x3  }
0xf7: {  	v10 =	vld.idx.msk [tilespmem:v11+s14+$0x0], $0xffff  }
0xf8: {  	v1 =	vmul.f32 v1, v2;
	v2 =	vmul.f32 v3, v9;
	v3 =	vld.idx.msk [tilespmem:v11+s15+$0x0], $0xffff  }
0xf9: {  	v11 =	vld [tilespmem:$0x1FEC0];
	_ =	sdelay $0x1  }
0xfa: {  	v8 =	vld.idx.msk [tilespmem:v57+s14+$0x0], $0xffff  }
0xfb: {  	v4 =	vld.idx.msk [tilespmem:v57+s15+$0x0], $0xffff  }
0xfc: {  	v0 =	vadd.f32 v1, v0;
	v1 =	vld [tilespmem:$0x1FF30];
	_ =	sdelay $0x3  }
0xfd: {  	v9 =	vld.idx.msk [tilespmem:v11+s14+$0x0], $0xffff  }
0xfe: {  	v1 =	vmul.f32 v1, v2;
	v2 =	vmul.f32 v4, v8;
	v4 =	vld.idx.msk [tilespmem:v11+s15+$0x0], $0xffff  }
0xff: {  	v11 =	vld [tilespmem:$0x1FEA0]  }
0x100: {  	v0 =	vadd.f32 v1, v0;
	v1 =	vld [tilespmem:$0x1FF20];
	_ =	sdelay $0x4  }
0x101: {  	v1 =	vmul.f32 v1, v2;
	_ =	sdelay $0x1  }
0x102: {  	v0 =	vadd.f32 v1, v0;
	v1 =	vld [tilespmem:$0x1FF10]  }
0x103: {  	v8 =	vld.idx.msk [tilespmem:v11+s14+$0x0], $0xffff  }
0x104: {  	v2 =	vmul.f32 v5, v7;
	v5 =	vld.idx.msk [tilespmem:v11+s15+$0x0], $0xffff  }
0x105: {  	v11 =	vld [tilespmem:$0x1FE80];
	_ =	sdelay $0x4  }
0x106: {  	v1 =	vmul.f32 v1, v2;
	_ =	sdelay $0x1  }
0x107: {  	v0 =	vadd.f32 v1, v0;
	v1 =	vld [tilespmem:$0x1FEF0]  }
0x108: {  	v7 =	vld.idx.msk [tilespmem:v11+s14+$0x0], $0xffff  }
0x109: {  	v2 =	vmul.f32 v3, v10;
	v3 =	vld.idx.msk [tilespmem:v11+s15+$0x0], $0xffff  }
0x10a: {  	v11 =	vld [tilespmem:$0x1FE60];
	_ =	sdelay $0x4  }
0x10b: {  	v1 =	vmul.f32 v1, v2;
	_ =	sdelay $0x1  }
0x10c: {  	v0 =	vadd.f32 v1, v0;
	v1 =	vld [tilespmem:$0x1FED0]  }
0x10d: {  	v10 =	vld.idx.msk [tilespmem:v11+s14+$0x0], $0xffff  }
0x10e: {  	v2 =	vmul.f32 v4, v9;
	v4 =	vld.idx.msk [tilespmem:v11+s15+$0x0], $0xffff  }
0x10f: {  	v11 =	vld [tilespmem:$0x1FE40];
	_ =	sdelay $0x4  }
0x110: {  	v1 =	vmul.f32 v1, v2;
	_ =	sdelay $0x1  }
0x111: {  	v0 =	vadd.f32 v1, v0;
	v1 =	vld [tilespmem:$0x1FEB0]  }
0x112: {  	v9 =	vld.idx.msk [tilespmem:v11+s14+$0x0], $0xffff  }
0x113: {  	v2 =	vmul.f32 v5, v8;
	v5 =	vld.idx.msk [tilespmem:v11+s15+$0x0], $0xffff  }
0x114: {  	v11 =	vld [tilespmem:$0x1FE20];
	_ =	sdelay $0x4  }
0x115: {  	v1 =	vmul.f32 v1, v2;
	_ =	sdelay $0x1  }
0x116: {  	v0 =	vadd.f32 v1, v0;
	v1 =	vld [tilespmem:$0x1FE90]  }
0x117: {  	v8 =	vld.idx.msk [tilespmem:v11+s14+$0x0], $0xffff  }
0x118: {  	v2 =	vmul.f32 v3, v7;
	v3 =	vld.idx.msk [tilespmem:v11+s15+$0x0], $0xffff  }
0x119: {  	v11 =	vld [tilespmem:$0x1FE00];
	_ =	sdelay $0x4  }
0x11a: {  	v1 =	vmul.f32 v1, v2;
	_ =	sdelay $0x1  }
0x11b: {  	v0 =	vadd.f32 v1, v0;
	v1 =	vld [tilespmem:$0x1FE70]  }
0x11c: {  	v7 =	vld.idx.msk [tilespmem:v11+s14+$0x0], $0xffff  }
0x11d: {  	v2 =	vmul.f32 v4, v10;
	v4 =	vld.idx.msk [tilespmem:v11+s15+$0x0], $0xffff  }
0x11e: {  	v11 =	vld [tilespmem:$0x1FDE0];
	_ =	sdelay $0x1  }
0x11f: {  	v1 =	vmul.f32 v1, v2;
	_ =	sdelay $0x1  }
0x120: {  	v0 =	vadd.f32 v1, v0;
	v1 =	vld [tilespmem:$0x1FE50];
	_ =	sdelay $0x2  }
0x121: {  	v2 =	vmul.f32 v5, v9  }
0x122: {  	v10 =	vld.idx.msk [tilespmem:v11+s14+$0x0], $0xffff  }
0x123: {  	v1 =	vmul.f32 v1, v2;
	v5 =	vld.idx.msk [tilespmem:v11+s15+$0x0], $0xffff  }
0x124: {  	v11 =	vld [tilespmem:$0x1FDC0]  }
0x125: {  	v0 =	vadd.f32 v1, v0;
	v1 =	vld [tilespmem:$0x1FE30];
	_ =	sdelay $0x2  }
0x126: {  	v2 =	vmul.f32 v3, v8;
	_ =	sdelay $0x1  }
0x127: {  	v1 =	vmul.f32 v1, v2;
	_ =	sdelay $0x1  }
0x128: {  	v0 =	vadd.f32 v1, v0;
	v1 =	vld [tilespmem:$0x1FE10]  }
0x129: {  	v9 =	vld.idx.msk [tilespmem:v11+s14+$0x0], $0xffff  }
0x12a: {  	v3 =	vld.idx.msk [tilespmem:v11+s15+$0x0], $0xffff  }
0x12b: {  	v11 =	vld [tilespmem:$0x1FDA0];
	_ =	sdelay $0x2  }
0x12c: {  	v2 =	vmul.f32 v4, v7;
	_ =	sdelay $0x1  }
0x12d: {  	v1 =	vmul.f32 v1, v2;
	_ =	sdelay $0x1  }
0x12e: {  	v0 =	vadd.f32 v1, v0;
	v1 =	vld [tilespmem:$0x1FDF0]  }
0x12f: {  	v8 =	vld.idx.msk [tilespmem:v11+s14+$0x0], $0xffff  }
0x130: {  	v4 =	vld.idx.msk [tilespmem:v11+s15+$0x0], $0xffff  }
0x131: {  	v11 =	vld [tilespmem:$0x1FD80];
	_ =	sdelay $0x2  }
0x132: {  	v2 =	vmul.f32 v5, v10;
	_ =	sdelay $0x1  }
0x133: {  	v1 =	vmul.f32 v1, v2;
	_ =	sdelay $0x1  }
0x134: {  	v0 =	vadd.f32 v1, v0;
	v1 =	vld [tilespmem:$0x1FDD0]  }
0x135: {  	v7 =	vld.idx.msk [tilespmem:v11+s14+$0x0], $0xffff  }
0x136: {  	v5 =	vld.idx.msk [tilespmem:v11+s15+$0x0], $0xffff  }
0x137: {  	v11 =	vld [tilespmem:$0x1FD60];
	_ =	sdelay $0x2  }
0x138: {  	v2 =	vmul.f32 v3, v9;
	_ =	sdelay $0x1  }
0x139: {  	v1 =	vmul.f32 v1, v2;
	_ =	sdelay $0x1  }
0x13a: {  	v0 =	vadd.f32 v1, v0;
	v1 =	vld [tilespmem:$0x1FDB0]  }
0x13b: {  	v10 =	vld.idx.msk [tilespmem:v11+s14+$0x0], $0xffff  }
0x13c: {  	v3 =	vld.idx.msk [tilespmem:v11+s15+$0x0], $0xffff  }
0x13d: {  	v11 =	vld [tilespmem:$0x1FD40];
	_ =	sdelay $0x2  }
0x13e: {  	v2 =	vmul.f32 v4, v8;
	_ =	sdelay $0x1  }
0x13f: {  	v1 =	vmul.f32 v1, v2;
	_ =	sdelay $0x1  }
0x140: {  	v0 =	vadd.f32 v1, v0;
	v1 =	vld [tilespmem:$0x1FD90]  }
0x141: {  	v9 =	vld.idx.msk [tilespmem:v11+s14+$0x0], $0xffff  }
0x142: {  	v4 =	vld.idx.msk [tilespmem:v11+s15+$0x0], $0xffff  }
0x143: {  	v11 =	vld [tilespmem:$0x1FD20];
	_ =	sdelay $0x2  }
0x144: {  	v2 =	vmul.f32 v5, v7;
	_ =	sdelay $0x1  }
0x145: {  	v1 =	vmul.f32 v1, v2;
	_ =	sdelay $0x1  }
0x146: {  	v0 =	vadd.f32 v1, v0;
	v1 =	vld [tilespmem:$0x1FD70]  }
0x147: {  	v8 =	vld.idx.msk [tilespmem:v11+s14+$0x0], $0xffff  }
0x148: {  	v5 =	vld.idx.msk [tilespmem:v11+s15+$0x0], $0xffff  }
0x149: {  	v2 =	vmul.f32 v3, v10;
	v11 =	vld [tilespmem:$0x1FD00];
	_ =	sdelay $0x1  }
0x14a: {  	v1 =	vmul.f32 v1, v2;
	_ =	sdelay $0x1  }
0x14b: {  	v0 =	vadd.f32 v1, v0;
	v1 =	vld [tilespmem:$0x1FD50];
	_ =	sdelay $0x2  }
0x14c: {  	v2 =	vmul.f32 v4, v9  }
0x14d: {  	v7 =	vld.idx.msk [tilespmem:v11+s14+$0x0], $0xffff  }
0x14e: {  	v1 =	vmul.f32 v1, v2;
	v3 =	vld.idx.msk [tilespmem:v11+s15+$0x0], $0xffff  }
0x14f: {  	v11 =	vld [tilespmem:$0x1FCE0]  }
0x150: {  	v0 =	vadd.f32 v1, v0;
	v1 =	vld [tilespmem:$0x1FD30];
	_ =	sdelay $0x2  }
0x151: {  	v2 =	vmul.f32 v5, v8;
	_ =	sdelay $0x1  }
0x152: {  	v1 =	vmul.f32 v1, v2;
	_ =	sdelay $0x1  }
0x153: {  	v0 =	vadd.f32 v1, v0;
	v1 =	vld [tilespmem:$0x1FD10]  }
0x154: {  	v10 =	vld.idx.msk [tilespmem:v11+s14+$0x0], $0xffff  }
0x155: {  	v4 =	vld.idx.msk [tilespmem:v11+s15+$0x0], $0xffff  }
0x156: {  	v11 =	vld [tilespmem:$0x1FCC0];
	_ =	sdelay $0x2  }
0x157: {  	v2 =	vmul.f32 v3, v7;
	_ =	sdelay $0x1  }
0x158: {  	v1 =	vmul.f32 v1, v2;
	_ =	sdelay $0x1  }
0x159: {  	v0 =	vadd.f32 v1, v0;
	v1 =	vld [tilespmem:$0x1FCF0]  }
0x15a: {  	v9 =	vld.idx.msk [tilespmem:v11+s14+$0x0], $0xffff  }
0x15b: {  	v5 =	vld.idx.msk [tilespmem:v11+s15+$0x0], $0xffff  }
0x15c: {  	v11 =	vld [tilespmem:$0x1FCA0];
	_ =	sdelay $0x2  }
0x15d: {  	v2 =	vmul.f32 v4, v10;
	_ =	sdelay $0x1  }
0x15e: {  	v1 =	vmul.f32 v1, v2;
	_ =	sdelay $0x1  }
0x15f: {  	v0 =	vadd.f32 v1, v0;
	v1 =	vld [tilespmem:$0x1FCD0]  }
0x160: {  	v8 =	vld.idx.msk [tilespmem:v11+s14+$0x0], $0xffff  }
0x161: {  	v3 =	vld.idx.msk [tilespmem:v11+s15+$0x0], $0xffff  }
0x162: {  	v11 =	vld [tilespmem:$0x1FC80];
	_ =	sdelay $0x2  }
0x163: {  	v2 =	vmul.f32 v5, v9;
	_ =	sdelay $0x1  }
0x164: {  	v1 =	vmul.f32 v1, v2;
	_ =	sdelay $0x1  }
0x165: {  	v0 =	vadd.f32 v1, v0;
	v1 =	vld [tilespmem:$0x1FCB0]  }
0x166: {  	v7 =	vld.idx.msk [tilespmem:v11+s14+$0x0], $0xffff  }
0x167: {  	v4 =	vld.idx.msk [tilespmem:v11+s15+$0x0], $0xffff  }
0x168: {  	v11 =	vld [tilespmem:$0x1FC60];
	_ =	sdelay $0x2  }
0x169: {  	v2 =	vmul.f32 v3, v8;
	_ =	sdelay $0x1  }
0x16a: {  	v1 =	vmul.f32 v1, v2;
	_ =	sdelay $0x1  }
0x16b: {  	v0 =	vadd.f32 v1, v0;
	v1 =	vld [tilespmem:$0x1FC90]  }
0x16c: {  	v10 =	vld.idx.msk [tilespmem:v11+s14+$0x0], $0xffff  }
0x16d: {  	v5 =	vld.idx.msk [tilespmem:v11+s15+$0x0], $0xffff  }
0x16e: {  	v11 =	vld [tilespmem:$0x1FC40];
	_ =	sdelay $0x2  }
0x16f: {  	v2 =	vmul.f32 v4, v7;
	_ =	sdelay $0x1  }
0x170: {  	v1 =	vmul.f32 v1, v2;
	_ =	sdelay $0x1  }
0x171: {  	v0 =	vadd.f32 v1, v0;
	v1 =	vld [tilespmem:$0x1FC70]  }
0x172: {  	v9 =	vld.idx.msk [tilespmem:v11+s14+$0x0], $0xffff  }
0x173: {  	v3 =	vld.idx.msk [tilespmem:v11+s15+$0x0], $0xffff  }
0x174: {  	v11 =	vld [tilespmem:$0x1FC20];
	_ =	sdelay $0x2  }
0x175: {  	v2 =	vmul.f32 v5, v10;
	_ =	sdelay $0x1  }
0x176: {  	v1 =	vmul.f32 v1, v2;
	_ =	sdelay $0x1  }
0x177: {  	v0 =	vadd.f32 v1, v0;
	v1 =	vld [tilespmem:$0x1FC50]  }
0x178: {  	v8 =	vld.idx.msk [tilespmem:v11+s14+$0x0], $0xffff  }
0x179: {  	v4 =	vld.idx.msk [tilespmem:v11+s15+$0x0], $0xffff  }
0x17a: {  	v11 =	vld [tilespmem:$0x1FC00];
	_ =	sdelay $0x2  }
0x17b: {  	v2 =	vmul.f32 v3, v9;
	_ =	sdelay $0x1  }
0x17c: {  	v1 =	vmul.f32 v1, v2;
	_ =	sdelay $0x1  }
0x17d: {  	v0 =	vadd.f32 v1, v0;
	v1 =	vld [tilespmem:$0x1FC30]  }
0x17e: {  	v7 =	vld.idx.msk [tilespmem:v11+s14+$0x0], $0xffff  }
0x17f: {  	v5 =	vld.idx.msk [tilespmem:v11+s15+$0x0], $0xffff  }
0x180: {  	v11 =	vld [tilespmem:$0x1FBE0];
	_ =	sdelay $0x2  }
0x181: {  	v2 =	vmul.f32 v4, v8;
	_ =	sdelay $0x1  }
0x182: {  	v1 =	vmul.f32 v1, v2;
	_ =	sdelay $0x1  }
0x183: {  	v0 =	vadd.f32 v1, v0;
	v1 =	vld [tilespmem:$0x1FC10]  }
0x184: {  	v10 =	vld.idx.msk [tilespmem:v11+s14+$0x0], $0xffff  }
0x185: {  	v3 =	vld.idx.msk [tilespmem:v11+s15+$0x0], $0xffff  }
0x186: {  	v2 =	vmul.f32 v5, v7;
	v11 =	vld [tilespmem:$0x1FBD0];
	_ =	sdelay $0x1  }
0x187: {  	v6 =	vor.u32 $0x3F, v6;
	v1 =	vmul.f32 v1, v2;
	_ =	sdelay $0x1  }
0x188: {  	v0 =	vadd.f32 v1, v0;
	v1 =	vld [tilespmem:$0x1FBF0];
	_ =	sdelay $0x2  }
0x189: {  	v8 =	vld.idx.msk [tilespmem:v6+s14+$0x0], $0xffff;
	v2 =	vmul.f32 v3, v10  }
0x18a: {  	v9 =	vld.idx.msk [tilespmem:v11+s14+$0x0], $0xffff  }
0x18b: {  	v1 =	vmul.f32 v1, v2;
	v4 =	vld.idx.msk [tilespmem:v11+s15+$0x0], $0xffff  }
0x18c: {  	v5 =	vld.idx.msk [tilespmem:v6+s15+$0x0], $0xffff  }
0x18d: {  	v0 =	vadd.f32 v1, v0;
	v1 =	vld [tilespmem:$0x1FBC0];
	_ =	sdelay $0x1  }
0x18e: {  	v3 =	vld.idx.msk [tilespmem:v6+s16+$0x0], $0xffff  }
0x18f: {  	v2 =	vmul.f32 v4, v9  }
0x190: {  	v6 =	vmov s25  }
0x191: {  	v4 =	vshll.u32 v6, $0x7;
	v1 =	vmul.f32 v1, v2;
	v2 =	vmul.f32 v5, v8  }
0x192: {  	v6 =	vor.u32 v36, v4  }
0x193: {  	v0 =	vadd.f32 v1, v0;
	v1 =	vmul.f32 v3, v2;
	v2 =	vor.u32 $0x3D, v6  }
0x194: {  	s26 =	sand.u32 $0x80, s23  }
0x195: {  	s28 =	sand.u32 $0x70, s23;
	s26 =	sadd.s32 s26, s24;
	v0 =	vadd.f32 v1, v0  }
0x196: {  	s26 =	sadd.s32 s28, s26  }
0x197: {  	[tilespmem:s26+$0x0] =	vst v0  }
0x198: {  	v3 =	vor.u32 $0x3C, v6;
	v0 =	vld.idx.msk [tilespmem:v2+s16+$0x0], $0xffff;
	_ =	sdelay $0x4  }
0x199: {  	v1 =	vor.u32 $0x3B, v6;
	[tilespmem:$0x1FBF0] =	vst v0;
	v0 =	vld.idx.msk [tilespmem:v3+s16+$0x0], $0xffff;
	_ =	sdelay $0x4  }
0x19a: {  	v5 =	vor.u32 $0x3A, v6;
	[tilespmem:$0x1FC10] =	vst v0;
	v0 =	vld.idx.msk [tilespmem:v1+s16+$0x0], $0xffff;
	_ =	sdelay $0x3  }
0x19b: {  	v4 =	vor.u32 $0x3E, v6  }
0x19c: {  	v7 =	vor.u32 $0x39, v6;
	[tilespmem:$0x1FC30] =	vst v0;
	v0 =	vld.idx.msk [tilespmem:v5+s16+$0x0], $0xffff;
	_ =	sdelay $0x3  }
0x19d: {  	v55 =	vmov v36;
	[tilespmem:$0x1FBD0] =	vst v4;
	v36 =	vld.idx.msk [tilespmem:v4+s16+$0x0], $0xffff  }
0x19e: {  	v4 =	vor.u32 $0x38, v6;
	[tilespmem:$0x1FC50] =	vst v0;
	v0 =	vld.idx.msk [tilespmem:v7+s16+$0x0], $0xffff;
	_ =	sdelay $0x3  }
0x19f: {  	[tilespmem:$0x1FBE0] =	vst v2  }
0x1a0: {  	v2 =	vor.u32 $0x37, v6;
	[tilespmem:$0x1FC70] =	vst v0;
	v0 =	vld.idx.msk [tilespmem:v4+s16+$0x0], $0xffff;
	_ =	sdelay $0x3  }
0x1a1: {  	[tilespmem:$0x1FC00] =	vst v3  }
0x1a2: {  	v3 =	vor.u32 $0x36, v6;
	[tilespmem:$0x1FC90] =	vst v0;
	v0 =	vld.idx.msk [tilespmem:v2+s16+$0x0], $0xffff;
	_ =	sdelay $0x3  }
0x1a3: {  	[tilespmem:$0x1FC20] =	vst v1  }
0x1a4: {  	v1 =	vor.u32 $0x35, v6;
	[tilespmem:$0x1FCB0] =	vst v0;
	v0 =	vld.idx.msk [tilespmem:v3+s16+$0x0], $0xffff;
	_ =	sdelay $0x3  }
0x1a5: {  	[tilespmem:$0x1FC40] =	vst v5  }
0x1a6: {  	v5 =	vor.u32 $0x34, v6;
	[tilespmem:$0x1FCD0] =	vst v0;
	v0 =	vld.idx.msk [tilespmem:v1+s16+$0x0], $0xffff;
	_ =	sdelay $0x3  }
0x1a7: {  	[tilespmem:$0x1FC60] =	vst v7  }
0x1a8: {  	v7 =	vor.u32 $0x33, v6;
	[tilespmem:$0x1FCF0] =	vst v0;
	v0 =	vld.idx.msk [tilespmem:v5+s16+$0x0], $0xffff;
	_ =	sdelay $0x3  }
0x1a9: {  	[tilespmem:$0x1FC80] =	vst v4  }
0x1aa: {  	v4 =	vor.u32 $0x32, v6;
	[tilespmem:$0x1FD10] =	vst v0;
	v0 =	vld.idx.msk [tilespmem:v7+s16+$0x0], $0xffff;
	_ =	sdelay $0x3  }
0x1ab: {  	[tilespmem:$0x1FCA0] =	vst v2  }
0x1ac: {  	v2 =	vor.u32 $0x31, v6;
	[tilespmem:$0x1FD30] =	vst v0;
	v0 =	vld.idx.msk [tilespmem:v4+s16+$0x0], $0xffff;
	_ =	sdelay $0x3  }
0x1ad: {  	[tilespmem:$0x1FCC0] =	vst v3  }
0x1ae: {  	v3 =	vor.u32 $0x30, v6;
	[tilespmem:$0x1FD50] =	vst v0;
	v0 =	vld.idx.msk [tilespmem:v2+s16+$0x0], $0xffff;
	_ =	sdelay $0x3  }
0x1af: {  	[tilespmem:$0x1FCE0] =	vst v1  }
0x1b0: {  	v1 =	vor.u32 $0x2F, v6;
	[tilespmem:$0x1FD70] =	vst v0;
	v0 =	vld.idx.msk [tilespmem:v3+s16+$0x0], $0xffff;
	_ =	sdelay $0x3  }
0x1b1: {  	[tilespmem:$0x1FD00] =	vst v5  }
0x1b2: {  	v5 =	vor.u32 $0x2E, v6;
	[tilespmem:$0x1FD90] =	vst v0;
	v0 =	vld.idx.msk [tilespmem:v1+s16+$0x0], $0xffff;
	_ =	sdelay $0x3  }
0x1b3: {  	[tilespmem:$0x1FD20] =	vst v7  }
0x1b4: {  	v7 =	vor.u32 $0x2D, v6;
	[tilespmem:$0x1FDB0] =	vst v0;
	v0 =	vld.idx.msk [tilespmem:v5+s16+$0x0], $0xffff;
	_ =	sdelay $0x3  }
0x1b5: {  	[tilespmem:$0x1FD40] =	vst v4  }
0x1b6: {  	v4 =	vor.u32 $0x2C, v6;
	[tilespmem:$0x1FDD0] =	vst v0;
	v0 =	vld.idx.msk [tilespmem:v7+s16+$0x0], $0xffff;
	_ =	sdelay $0x3  }
0x1b7: {  	[tilespmem:$0x1FD60] =	vst v2  }
0x1b8: {  	v2 =	vor.u32 $0x2B, v6;
	[tilespmem:$0x1FDF0] =	vst v0;
	v0 =	vld.idx.msk [tilespmem:v4+s16+$0x0], $0xffff;
	_ =	sdelay $0x3  }
0x1b9: {  	[tilespmem:$0x1FD80] =	vst v3  }
0x1ba: {  	v3 =	vor.u32 $0x2A, v6;
	[tilespmem:$0x1FE10] =	vst v0;
	v0 =	vld.idx.msk [tilespmem:v2+s16+$0x0], $0xffff;
	_ =	sdelay $0x3  }
0x1bb: {  	[tilespmem:$0x1FDA0] =	vst v1  }
0x1bc: {  	v1 =	vor.u32 $0x29, v6;
	[tilespmem:$0x1FE30] =	vst v0;
	v0 =	vld.idx.msk [tilespmem:v3+s16+$0x0], $0xffff;
	_ =	sdelay $0x3  }
0x1bd: {  	[tilespmem:$0x1FDC0] =	vst v5  }
0x1be: {  	v5 =	vor.u32 $0x28, v6;
	[tilespmem:$0x1FE50] =	vst v0;
	v0 =	vld.idx.msk [tilespmem:v1+s16+$0x0], $0xffff;
	_ =	sdelay $0x3  }
0x1bf: {  	[tilespmem:$0x1FDE0] =	vst v7  }
0x1c0: {  	v7 =	vor.u32 $0x27, v6;
	[tilespmem:$0x1FE70] =	vst v0;
	v0 =	vld.idx.msk [tilespmem:v5+s16+$0x0], $0xffff;
	_ =	sdelay $0x3  }
0x1c1: {  	[tilespmem:$0x1FE00] =	vst v4  }
0x1c2: {  	v4 =	vor.u32 $0x26, v6;
	[tilespmem:$0x1FE90] =	vst v0;
	v0 =	vld.idx.msk [tilespmem:v7+s16+$0x0], $0xffff;
	_ =	sdelay $0x3  }
0x1c3: {  	[tilespmem:$0x1FE20] =	vst v2  }
0x1c4: {  	v2 =	vor.u32 $0x25, v6;
	[tilespmem:$0x1FEB0] =	vst v0;
	v0 =	vld.idx.msk [tilespmem:v4+s16+$0x0], $0xffff;
	_ =	sdelay $0x3  }
0x1c5: {  	[tilespmem:$0x1FE40] =	vst v3  }
0x1c6: {  	v3 =	vor.u32 $0x24, v6;
	[tilespmem:$0x1FED0] =	vst v0;
	v0 =	vld.idx.msk [tilespmem:v2+s16+$0x0], $0xffff;
	_ =	sdelay $0x4  }
0x1c7: {  	v57 =	vor.u32 $0x23, v6;
	[tilespmem:$0x1FEF0] =	vst v0;
	v0 =	vld.idx.msk [tilespmem:v3+s16+$0x0], $0xffff;
	_ =	sdelay $0x4  }
0x1c8: {  	v59 =	vor.u32 $0x22, v6;
	[tilespmem:$0x1FF10] =	vst v0;
	v0 =	vld.idx.msk [tilespmem:v57+s16+$0x0], $0xffff;
	_ =	sdelay $0x4  }
0x1c9: {  	v61 =	vor.u32 $0x21, v6;
	[tilespmem:$0x1FF20] =	vst v0;
	v0 =	vld.idx.msk [tilespmem:v59+s16+$0x0], $0xffff;
	_ =	sdelay $0x4  }
0x1ca: {  	v63 =	vor.u32 $0x20, v6;
	[tilespmem:$0x1FF30] =	vst v0;
	v0 =	vld.idx.msk [tilespmem:v61+s16+$0x0], $0xffff;
	_ =	sdelay $0x3  }
0x1cb: {  	[tilespmem:$0x1FE60] =	vst v1  }
0x1cc: {  	v1 =	vor.u32 $0x1F, v6;
	[tilespmem:$0x1FF40] =	vst v0;
	v0 =	vld.idx.msk [tilespmem:v63+s16+$0x0], $0xffff;
	_ =	sdelay $0x3  }
0x1cd: {  	[tilespmem:$0x1FE80] =	vst v5  }
0x1ce: {  	v5 =	vor.u32 $0x1E, v6;
	[tilespmem:$0x1FF50] =	vst v0;
	v0 =	vld.idx.msk [tilespmem:v1+s16+$0x0], $0xffff;
	_ =	sdelay $0x4  }
0x1cf: {  	v9 =	vor.u32 $0x1D, v6;
	[tilespmem:$0x1FF60] =	vst v0;
	v0 =	vld.idx.msk [tilespmem:v5+s16+$0x0], $0xffff;
	_ =	sdelay $0x4  }
0x1d0: {  	v14 =	vor.u32 $0x1C, v6;
	[tilespmem:$0x1FF70] =	vst v0;
	v0 =	vld.idx.msk [tilespmem:v9+s16+$0x0], $0xffff;
	_ =	sdelay $0x4  }
0x1d1: {  	v18 =	vor.u32 $0x1B, v6;
	[tilespmem:$0x1FF80] =	vst v0;
	v0 =	vld.idx.msk [tilespmem:v14+s16+$0x0], $0xffff;
	_ =	sdelay $0x4  }
0x1d2: {  	v22 =	vor.u32 $0x1A, v6;
	[tilespmem:$0x1FF90] =	vst v0;
	v0 =	vld.idx.msk [tilespmem:v18+s16+$0x0], $0xffff;
	_ =	sdelay $0x4  }
0x1d3: {  	v26 =	vor.u32 $0x19, v6;
	[tilespmem:$0x1FFA0] =	vst v0;
	v0 =	vld.idx.msk [tilespmem:v22+s16+$0x0], $0xffff  }
0x1d4: {  	v42 =	vor.u32 $0x15, v6  }
0x1d5: {  	v46 =	vor.u32 $0x14, v6  }
0x1d6: {  	v10 =	vor.u32 $0x11, v6  }
0x1d7: {  	v12 =	vor.u32 $0x10, v6  }
0x1d8: {  	v30 =	vor.u32 $0x18, v6;
	[tilespmem:$0x1FFB0] =	vst v0;
	v0 =	vld.idx.msk [tilespmem:v26+s16+$0x0], $0xffff  }
0x1d9: {  	v54 =	vor.u32 $0xF, v6;
	v40 =	vld.idx.msk [tilespmem:v42+s16+$0x0], $0xffff  }
0x1da: {  	v56 =	vor.u32 $0xE, v6;
	v44 =	vld.idx.msk [tilespmem:v46+s16+$0x0], $0xffff  }
0x1db: {  	v19 =	vor.u32 $0xD, v6;
	v50 =	vld.idx.msk [tilespmem:v10+s16+$0x0], $0xffff  }
0x1dc: {  	v21 =	vor.u32 $0xC, v6;
	v52 =	vld.idx.msk [tilespmem:v12+s16+$0x0], $0xffff  }
0x1dd: {  	v34 =	vor.u32 $0x17, v6;
	[tilespmem:$0x1FFC0] =	vst v0;
	v0 =	vld.idx.msk [tilespmem:v30+s16+$0x0], $0xffff  }
0x1de: {  	v23 =	vor.u32 $0xB, v6;
	v13 =	vld.idx.msk [tilespmem:v54+s16+$0x0], $0xffff  }
0x1df: {  	v62 =	vor.u32 $0xA, v6;
	v15 =	vld.idx.msk [tilespmem:v56+s16+$0x0], $0xffff  }
0x1e0: {  	v29 =	vor.u32 $0x9, v6;
	v17 =	vld.idx.msk [tilespmem:v19+s16+$0x0], $0xffff  }
0x1e1: {  	v8 =	vor.u32 $0x7, v6;
	v58 =	vld.idx.msk [tilespmem:v21+s16+$0x0], $0xffff  }
0x1e2: {  	v38 =	vor.u32 $0x16, v6;
	[tilespmem:$0x1FFD0] =	vst v0;
	v0 =	vld.idx.msk [tilespmem:v34+s16+$0x0], $0xffff  }
0x1e3: {  	v35 =	vor.u32 $0x6, v6;
	v60 =	vld.idx.msk [tilespmem:v23+s16+$0x0], $0xffff  }
0x1e4: {  	v11 =	vor.u32 $0x5, v6;
	v25 =	vld.idx.msk [tilespmem:v62+s16+$0x0], $0xffff;
	[tilespmem:$0x1FEA0] =	vst v7  }
0x1e5: {  	v27 =	vld.idx.msk [tilespmem:v29+s16+$0x0], $0xffff;
	[tilespmem:$0x1FEC0] =	vst v4;
	v7 =	vor.u32 $0x12, v6  }
0x1e6: {  	v31 =	vld.idx.msk [tilespmem:v8+s16+$0x0], $0xffff;
	[tilespmem:$0x1FF00] =	vst v3;
	v4 =	vor.u32 $0x13, v6  }
0x1e7: {  	p1 =	sne.s32 s25, $0xF0;
	v3 =	vor.u32 $0x8, v6;
	[tilespmem:$0x1FFE0] =	vst v0;
	v0 =	vld.idx.msk [tilespmem:v38+s16+$0x0], $0xffff  }
.Ltmp0:
0x1e8: {  	v33 =	vld.idx.msk [tilespmem:v35+s16+$0x0], $0xffff;
	(pc) =	sbr.rel @p1 .LBB2_3-.Ltmp0, $4  }
0x1e9: {  	v37 =	vld.idx.msk [tilespmem:v11+s16+$0x0], $0xffff  }
0x1ea: {  	v48 =	vld.idx.msk [tilespmem:v7+s16+$0x0], $0xffff  }
0x1eb: {  	v39 =	vor.u32 $0x4, v6;
	[tilespmem:$0x1FEE0] =	vst v2;
	v2 =	vld.idx.msk [tilespmem:v4+s16+$0x0], $0xffff  }
0x1ec: {  	s23 =	smov.u32 s25;
	s25 =	sadd.s32 $0x10, s25;
	v16 =	vor.u32 $0x3, v6;
	v41 =	vor.u32 $0x2, v6;
	v43 =	vor.u32 $0x1, v6;
	[tilespmem:$0x1FFF0] =	vst v0;
	v0 =	vld.idx.msk [tilespmem:v3+s16+$0x0], $0xffff  }
0x1ed: {  	_ =	sdelay $0x3  }
0x1ee: {  	v20 =	vld.idx.msk [tilespmem:v43+s16+$0x0], $0xffff  }
0x1ef: {  	v24 =	vld.idx.msk [tilespmem:v43+s14+$0x0], $0xffff  }
0x1f0: {  	v28 =	vld.idx.msk [tilespmem:v43+s15+$0x0], $0xffff  }
0x1f1: {  	v32 =	vld.idx.msk [tilespmem:v41+s16+$0x0], $0xffff  }
0x1f2: {  	v43 =	vld.idx.msk [tilespmem:v6+s15+$0x0], $0xffff  }
0x1f3: {  	v45 =	vld.idx.msk [tilespmem:v6+s14+$0x0], $0xffff  }
0x1f4: {  	v47 =	vld.idx.msk [tilespmem:v41+s14+$0x0], $0xffff  }
0x1f5: {  	v41 =	vld.idx.msk [tilespmem:v41+s15+$0x0], $0xffff  }
0x1f6: {  	v51 =	vld.idx.msk [tilespmem:v16+s16+$0x0], $0xffff  }
0x1f7: {  	v53 =	vld.idx.msk [tilespmem:v16+s14+$0x0], $0xffff  }
0x1f8: {  	v16 =	vld.idx.msk [tilespmem:v16+s15+$0x0], $0xffff  }
0x1f9: {  	v49 =	vld.idx.msk [tilespmem:v6+s16+$0x0], $0xffff  }
0x1fa: {  	v43 =	vmul.f32 v43, v45;
	v45 =	vld.idx.msk [tilespmem:v39+s16+$0x0], $0xffff  }
0x1fb: {  	v24 =	vmul.f32 v28, v24;
	v28 =	vld.idx.msk [tilespmem:v39+s14+$0x0], $0xffff  }
0x1fc: {  	v39 =	vld.idx.msk [tilespmem:v39+s15+$0x0], $0xffff  }
0x1fd: {  	v16 =	vmul.f32 v16, v53;
	v53 =	vld.idx.msk [tilespmem:v35+s15+$0x0], $0xffff  }
0x1fe: {  	v43 =	vmul.f32 v49, v43;
	v20 =	vmul.f32 v20, v24;
	v49 =	vld.idx.msk [tilespmem:v11+s15+$0x0], $0xffff  }
0x1ff: {  	v24 =	vmul.f32 v41, v47;
	v16 =	vmul.f32 v51, v16;
	v51 =	vld.idx.msk [tilespmem:v3+s15+$0x0], $0xffff  }
0x200: {  	v47 =	vadd.f32 $0.0e+00, v43;
	v43 =	vld.idx.msk [tilespmem:v11+s14+$0x0], $0xffff  }
0x201: {  	v24 =	vmul.f32 v32, v24;
	v32 =	vld.idx.msk [tilespmem:v35+s14+$0x0], $0xffff  }
0x202: {  	v41 =	vmul.f32 v39, v28;
	v28 =	vld.idx.msk [tilespmem:v8+s14+$0x0], $0xffff  }
0x203: {  	v8 =	vld.idx.msk [tilespmem:v8+s15+$0x0], $0xffff  }
0x204: {  	v39 =	vld.idx.msk [tilespmem:v29+s15+$0x0], $0xffff  }
0x205: {  	v20 =	vadd.f32 v20, v47;
	v47 =	vmul.f32 v45, v41;
	v45 =	vld.idx.msk [tilespmem:v62+s15+$0x0], $0xffff  }
0x206: {  	v11 =	vmul.f32 v49, v43;
	v49 =	vld.idx.msk [tilespmem:v3+s14+$0x0], $0xffff  }
0x207: {  	v43 =	vld.idx.msk [tilespmem:v62+s14+$0x0], $0xffff  }
0x208: {  	v62 =	vld.idx.msk [tilespmem:v21+s15+$0x0], $0xffff  }
0x209: {  	v53 =	vmul.f32 v53, v32;
	v32 =	vld.idx.msk [tilespmem:v56+s14+$0x0], $0xffff  }
0x20a: {  	v8 =	vmul.f32 v8, v28;
	v28 =	vld.idx.msk [tilespmem:v19+s15+$0x0], $0xffff  }
0x20b: {  	v20 =	vadd.f32 v24, v20;
	v11 =	vmul.f32 v37, v11;
	v37 =	vld.idx.msk [tilespmem:v29+s14+$0x0], $0xffff  }
0x20c: {  	v41 =	vmul.f32 v33, v53;
	v53 =	vld.idx.msk [tilespmem:v21+s14+$0x0], $0xffff  }
0x20d: {  	v16 =	vadd.f32 v16, v20;
	v33 =	vld.idx.msk [tilespmem:v56+s15+$0x0], $0xffff  }
0x20e: {  	v56 =	vld.idx.msk [tilespmem:v10+s15+$0x0], $0xffff  }
0x20f: {  	v16 =	vadd.f32 v47, v16;
	v47 =	vld.idx.msk [tilespmem:v23+s14+$0x0], $0xffff  }
0x210: {  	v3 =	vmul.f32 v51, v49;
	v49 =	vld.idx.msk [tilespmem:v23+s15+$0x0], $0xffff  }
0x211: {  	v11 =	vadd.f32 v11, v16;
	v23 =	vld.idx.msk [tilespmem:v4+s14+$0x0], $0xffff  }
0x212: {  	v51 =	vmul.f32 v39, v37;
	v39 =	vld.idx.msk [tilespmem:v54+s14+$0x0], $0xffff  }
0x213: {  	v11 =	vadd.f32 v41, v11;
	v41 =	vld.idx.msk [tilespmem:v54+s15+$0x0], $0xffff  }
0x214: {  	v24 =	vmul.f32 v45, v43;
	v54 =	vld.idx.msk [tilespmem:v10+s14+$0x0], $0xffff  }
0x215: {  	v37 =	vmul.f32 v62, v53;
	v62 =	vld.idx.msk [tilespmem:v7+s14+$0x0], $0xffff  }
0x216: {  	v29 =	vmul.f32 v25, v24;
	v24 =	vld.idx.msk [tilespmem:v4+s15+$0x0], $0xffff  }
0x217: {  	v53 =	vmul.f32 v33, v32;
	v32 =	vld.idx.msk [tilespmem:v42+s14+$0x0], $0xffff  }
0x218: {  	v33 =	vld.idx.msk [tilespmem:v42+s15+$0x0], $0xffff  }
0x219: {  	v42 =	vld.idx.msk [tilespmem:v34+s15+$0x0], $0xffff  }
0x21a: {  	v10 =	vld [tilespmem:$0x1FF10]  }
0x21b: {  	v0 =	vmul.f32 v0, v3;
	v3 =	vmul.f32 v27, v51;
	v27 =	vld.idx.msk [tilespmem:v19+s14+$0x0], $0xffff  }
0x21c: {  	v43 =	vmul.f32 v58, v37;
	v37 =	vld.idx.msk [tilespmem:v38+s14+$0x0], $0xffff  }
0x21d: {  	v38 =	vld.idx.msk [tilespmem:v38+s15+$0x0], $0xffff  }
0x21e: {  	v58 =	vmul.f32 v15, v53;
	v53 =	vld.idx.msk [tilespmem:v22+s14+$0x0], $0xffff  }
0x21f: {  	v15 =	vld [tilespmem:$0x1FFD0]  }
0x220: {  	v19 =	vld [tilespmem:$0x1FFC0]  }
0x221: {  	v8 =	vmul.f32 v31, v8;
	v31 =	vmul.f32 v49, v47;
	v47 =	vld.idx.msk [tilespmem:v12+s14+$0x0], $0xffff  }
0x222: {  	v49 =	vld.idx.msk [tilespmem:v12+s15+$0x0], $0xffff  }
0x223: {  	v12 =	vld [tilespmem:$0x1FE80]  }
0x224: {  	v35 =	vmul.f32 v60, v31;
	v60 =	vmul.f32 v41, v39;
	v41 =	vld.idx.msk [tilespmem:v34+s14+$0x0], $0xffff  }
0x225: {  	v4 =	vmul.f32 v24, v23;
	v23 =	vld [tilespmem:$0x1FFB0]  }
0x226: {  	v8 =	vadd.f32 v8, v11;
	v34 =	vld.idx.msk [tilespmem:v63+s15+$0x0], $0xffff  }
0x227: {  	v45 =	vmul.f32 v28, v27;
	v28 =	vld.idx.msk [tilespmem:v46+s14+$0x0], $0xffff  }
0x228: {  	v0 =	vadd.f32 v0, v8;
	v27 =	vmul.f32 v56, v54;
	v54 =	vld.idx.msk [tilespmem:v22+s15+$0x0], $0xffff  }
0x229: {  	v56 =	vld [tilespmem:$0x1FFE0]  }
0x22a: {  	v0 =	vadd.f32 v3, v0;
	v20 =	vmul.f32 v13, v60;
	v60 =	vld.idx.msk [tilespmem:v18+s14+$0x0], $0xffff  }
0x22b: {  	v22 =	vld.idx.msk [tilespmem:v9+s15+$0x0], $0xffff  }
0x22c: {  	v0 =	vadd.f32 v29, v0;
	v29 =	vld.idx.msk [tilespmem:v46+s15+$0x0], $0xffff  }
0x22d: {  	v46 =	vld.idx.msk [tilespmem:v30+s15+$0x0], $0xffff  }
0x22e: {  	v21 =	vmul.f32 v49, v47;
	v49 =	vld.idx.msk [tilespmem:v26+s14+$0x0], $0xffff  }
0x22f: {  	v51 =	vmul.f32 v17, v45;
	v17 =	vld.idx.msk [tilespmem:v7+s15+$0x0], $0xffff  }
0x230: {  	v45 =	vld.idx.msk [tilespmem:v30+s14+$0x0], $0xffff  }
0x231: {  	v31 =	vmul.f32 v50, v27;
	v50 =	vld.idx.msk [tilespmem:v26+s15+$0x0], $0xffff  }
0x232: {  	v26 =	vld.idx.msk [tilespmem:v5+s15+$0x0], $0xffff  }
0x233: {  	v27 =	vld [tilespmem:$0x1FFA0]  }
0x234: {  	v30 =	vld.idx.msk [tilespmem:v1+s15+$0x0], $0xffff  }
0x235: {  	v25 =	vmul.f32 v52, v21;
	v21 =	vld.idx.msk [tilespmem:v9+s14+$0x0], $0xffff  }
0x236: {  	v0 =	vadd.f32 v35, v0;
	v52 =	vmul.f32 v42, v41;
	v41 =	vld.idx.msk [tilespmem:v59+s14+$0x0], $0xffff  }
0x237: {  	v42 =	vld.idx.msk [tilespmem:v59+s15+$0x0], $0xffff  }
0x238: {  	v13 =	vld.idx.msk [tilespmem:v12+s14+$0x0], $0xffff;
	v0 =	vadd.f32 v43, v0  }
0x239: {  	v39 =	vmul.f32 v29, v28;
	v29 =	vld.idx.msk [tilespmem:v1+s14+$0x0], $0xffff  }
0x23a: {  	v0 =	vadd.f32 v51, v0;
	v51 =	vld [tilespmem:$0x1FFF0]  }
0x23b: {  	v7 =	vmul.f32 v17, v62;
	v62 =	vld.idx.msk [tilespmem:v18+s15+$0x0], $0xffff  }
0x23c: {  	v17 =	vld.idx.msk [tilespmem:v14+s14+$0x0], $0xffff  }
0x23d: {  	v18 =	vld.idx.msk [tilespmem:v14+s15+$0x0], $0xffff  }
0x23e: {  	v16 =	vmul.f32 v50, v49;
	v49 =	vld [tilespmem:$0x1FF00]  }
0x23f: {  	v14 =	vld [tilespmem:$0x1FEF0]  }
0x240: {  	v43 =	vmul.f32 v44, v39;
	v44 =	vmul.f32 v33, v32;
	v33 =	vld.idx.msk [tilespmem:v63+s14+$0x0], $0xffff  }
0x241: {  	v39 =	vld.idx.msk [tilespmem:v61+s15+$0x0], $0xffff  }
0x242: {  	v32 =	vmul.f32 v22, v21;
	v22 =	vld [tilespmem:$0x1FEB0]  }
0x243: {  	v35 =	vmul.f32 v48, v7;
	v48 =	vmul.f32 v38, v37;
	v38 =	vld.idx.msk [tilespmem:v61+s14+$0x0], $0xffff  }
0x244: {  	v0 =	vadd.f32 v58, v0;
	v58 =	vmul.f32 v46, v45;
	v45 =	vld.idx.msk [tilespmem:v57+s14+$0x0], $0xffff  }
0x245: {  	v46 =	vld.idx.msk [tilespmem:v57+s15+$0x0], $0xffff  }
0x246: {  	v47 =	vmul.f32 v40, v44;
	v40 =	vld [tilespmem:$0x1FF70]  }
0x247: {  	v0 =	vadd.f32 v20, v0;
	v20 =	vmul.f32 v54, v53;
	v53 =	vld [tilespmem:$0x1FEE0]  }
0x248: {  	v1 =	vmul.f32 v30, v29;
	v30 =	vld [tilespmem:$0x1FE70]  }
0x249: {  	v24 =	vmul.f32 v62, v60;
	v60 =	vld [tilespmem:$0x1FF20]  }
0x24a: {  	v62 =	vld [tilespmem:$0x1FEA0]  }
0x24b: {  	v28 =	vmul.f32 v18, v17;
	v18 =	vld [tilespmem:$0x1FED0]  }
0x24c: {  	v0 =	vadd.f32 v25, v0;
	v25 =	vld.idx.msk [tilespmem:v5+s14+$0x0], $0xffff  }
0x24d: {  	v44 =	vmul.f32 v34, v33;
	v34 =	vld [tilespmem:$0x1FE50]  }
0x24e: {  	v57 =	vmul.f32 v46, v45;
	v45 =	vld [tilespmem:$0x1FD80]  }
0x24f: {  	v0 =	vadd.f32 v31, v0;
	v31 =	vld [tilespmem:$0x1FF90]  }
0x250: {  	v50 =	vld.idx.msk [tilespmem:v49+s14+$0x0], $0xffff  }
0x251: {  	v8 =	vld.idx.msk [tilespmem:v49+s15+$0x0], $0xffff  }
0x252: {  	v49 =	vld [tilespmem:$0x1FD60]  }
0x253: {  	v2 =	vmul.f32 v2, v4;
	v0 =	vadd.f32 v35, v0;
	v35 =	vld [tilespmem:$0x1FF80]  }
0x254: {  	v37 =	vmul.f32 v26, v25;
	v26 =	vld [tilespmem:$0x1FE90]  }
0x255: {  	v0 =	vadd.f32 v2, v0;
	v2 =	vmul.f32 v51, v48;
	v51 =	vld [tilespmem:$0x1FF40]  }
0x256: {  	v54 =	vld.idx.msk [tilespmem:v53+s14+$0x0], $0xffff  }
0x257: {  	v7 =	vld.idx.msk [tilespmem:v53+s15+$0x0], $0xffff  }
0x258: {  	v48 =	vmul.f32 v39, v38;
	v39 =	vld [tilespmem:$0x1FE30]  }
0x259: {  	v53 =	vld [tilespmem:$0x1FD40]  }
0x25a: {  	v63 =	vld.idx.msk [tilespmem:v62+s14+$0x0], $0xffff  }
0x25b: {  	v61 =	vmul.f32 v8, v50;
	v8 =	vld.idx.msk [tilespmem:v62+s15+$0x0], $0xffff  }
0x25c: {  	v62 =	vld [tilespmem:$0x1FD00]  }
0x25d: {  	v0 =	vadd.f32 v43, v0;
	v43 =	vld [tilespmem:$0x1FF60]  }
0x25e: {  	v46 =	vld.idx.msk [tilespmem:v45+s14+$0x0], $0xffff  }
0x25f: {  	v0 =	vadd.f32 v47, v0;
	v47 =	vld [tilespmem:$0x1FF50]  }
0x260: {  	v50 =	vld.idx.msk [tilespmem:v49+s14+$0x0], $0xffff  }
0x261: {  	v11 =	vmul.f32 v7, v54;
	v7 =	vld.idx.msk [tilespmem:v12+s15+$0x0], $0xffff  }
0x262: {  	v12 =	vld [tilespmem:$0x1FD70]  }
0x263: {  	v0 =	vadd.f32 v2, v0;
	v2 =	vmul.f32 v56, v52;
	v56 =	vld [tilespmem:$0x1FF30]  }
0x264: {  	v52 =	vmul.f32 v42, v41;
	v41 =	vld [tilespmem:$0x1FDA0]  }
0x265: {  	v0 =	vadd.f32 v2, v0;
	v2 =	vmul.f32 v15, v58;
	v58 =	vld [tilespmem:$0x1FEC0]  }
0x266: {  	v1 =	vmul.f32 v43, v1;
	v43 =	vld [tilespmem:$0x1FE10]  }
0x267: {  	v54 =	vld.idx.msk [tilespmem:v53+s14+$0x0], $0xffff;
	v0 =	vadd.f32 v2, v0;
	v2 =	vmul.f32 v19, v16  }
0x268: {  	v16 =	vld [tilespmem:$0x1FE60]  }
0x269: {  	v19 =	vmul.f32 v8, v63;
	v63 =	vld.idx.msk [tilespmem:v62+s14+$0x0], $0xffff;
	v0 =	vadd.f32 v2, v0;
	v2 =	vmul.f32 v23, v20  }
0x26a: {  	v20 =	vld [tilespmem:$0x1FE40]  }
0x26b: {  	v0 =	vadd.f32 v2, v0;
	v2 =	vmul.f32 v27, v24;
	v24 =	vld [tilespmem:$0x1FE20]  }
0x26c: {  	v42 =	vld.idx.msk [tilespmem:v41+s14+$0x0], $0xffff  }
0x26d: {  	v59 =	vld.idx.msk [tilespmem:v58+s14+$0x0], $0xffff  }
0x26e: {  	v9 =	vld.idx.msk [tilespmem:v58+s15+$0x0], $0xffff  }
0x26f: {  	v0 =	vadd.f32 v2, v0;
	v2 =	vmul.f32 v31, v28;
	v28 =	vld [tilespmem:$0x1FE00]  }
0x270: {  	v58 =	vld [tilespmem:$0x1FD20]  }
0x271: {  	v17 =	vld.idx.msk [tilespmem:v16+s14+$0x0], $0xffff  }
0x272: {  	v0 =	vadd.f32 v2, v0;
	v2 =	vmul.f32 v35, v32;
	v32 =	vld [tilespmem:$0x1FDE0]  }
0x273: {  	v21 =	vld.idx.msk [tilespmem:v20+s14+$0x0], $0xffff  }
0x274: {  	v8 =	vld.idx.msk [tilespmem:v20+s15+$0x0], $0xffff  }
0x275: {  	v0 =	vadd.f32 v2, v0;
	v2 =	vmul.f32 v40, v37;
	v37 =	vld [tilespmem:$0x1FDC0]  }
0x276: {  	v20 =	vld [tilespmem:$0x1FD30]  }
0x277: {  	v15 =	vmul.f32 v9, v59;
	v9 =	vld.idx.msk [tilespmem:v16+s15+$0x0], $0xffff  }
0x278: {  	v16 =	vld [tilespmem:$0x1FD50]  }
0x279: {  	v25 =	vld.idx.msk [tilespmem:v24+s14+$0x0], $0xffff  }
0x27a: {  	v23 =	vmul.f32 v7, v13;
	v7 =	vld.idx.msk [tilespmem:v24+s15+$0x0], $0xffff  }
0x27b: {  	v0 =	vadd.f32 v2, v0;
	v24 =	vld [tilespmem:$0x1FD10]  }
0x27c: {  	v29 =	vld.idx.msk [tilespmem:v28+s14+$0x0], $0xffff  }
0x27d: {  	v0 =	vadd.f32 v1, v0;
	v1 =	vmul.f32 v47, v44;
	v47 =	vld [tilespmem:$0x1FDF0]  }
0x27e: {  	v59 =	vld.idx.msk [tilespmem:v58+s14+$0x0], $0xffff  }
0x27f: {  	v27 =	vmul.f32 v9, v17;
	v9 =	vld.idx.msk [tilespmem:v28+s15+$0x0], $0xffff  }
0x280: {  	v0 =	vadd.f32 v1, v0;
	v1 =	vmul.f32 v51, v48;
	v33 =	vld.idx.msk [tilespmem:v32+s14+$0x0], $0xffff  }
0x281: {  	v31 =	vmul.f32 v8, v21;
	v8 =	vld.idx.msk [tilespmem:v32+s15+$0x0], $0xffff  }
0x282: {  	v51 =	vld [tilespmem:$0x1FDD0];
	v0 =	vadd.f32 v1, v0;
	v1 =	vmul.f32 v56, v52  }
0x283: {  	v28 =	vld [tilespmem:$0x1FCF0]  }
0x284: {  	v32 =	vld [tilespmem:$0x1FCD0];
	v0 =	vadd.f32 v1, v0;
	v1 =	vmul.f32 v60, v57  }
0x285: {  	v38 =	vld.idx.msk [tilespmem:v37+s14+$0x0], $0xffff  }
0x286: {  	v35 =	vmul.f32 v7, v25;
	v7 =	vld.idx.msk [tilespmem:v37+s15+$0x0], $0xffff;
	v0 =	vadd.f32 v1, v0;
	v1 =	vmul.f32 v10, v61  }
0x287: {  	v56 =	vld [tilespmem:$0x1FDB0]  }
0x288: {  	v37 =	vld [tilespmem:$0x1FCB0];
	v0 =	vadd.f32 v1, v0;
	v1 =	vmul.f32 v14, v11  }
0x289: {  	v60 =	vld [tilespmem:$0x1FD90]  }
0x28a: {  	v40 =	vmul.f32 v9, v29;
	v9 =	vld.idx.msk [tilespmem:v41+s15+$0x0], $0xffff;
	v0 =	vadd.f32 v1, v0;
	v1 =	vmul.f32 v18, v15  }
0x28b: {  	v44 =	vmul.f32 v8, v33;
	v8 =	vld.idx.msk [tilespmem:v45+s15+$0x0], $0xffff  }
0x28c: {  	v41 =	vld [tilespmem:$0x1FC90];
	v0 =	vadd.f32 v1, v0;
	v1 =	vmul.f32 v22, v19  }
0x28d: {  	v48 =	vmul.f32 v7, v38;
	v7 =	vld.idx.msk [tilespmem:v49+s15+$0x0], $0xffff  }
0x28e: {  	v14 =	vld [tilespmem:$0x1FCE0];
	v0 =	vadd.f32 v1, v0;
	v1 =	vmul.f32 v26, v23  }
0x28f: {  	v52 =	vmul.f32 v9, v42;
	v9 =	vld.idx.msk [tilespmem:v53+s15+$0x0], $0xffff  }
0x290: {  	v57 =	vmul.f32 v8, v46;
	v8 =	vld.idx.msk [tilespmem:v58+s15+$0x0], $0xffff;
	v0 =	vadd.f32 v1, v0;
	v1 =	vmul.f32 v30, v27  }
0x291: {  	v18 =	vld [tilespmem:$0x1FCC0]  }
0x292: {  	v46 =	vld [tilespmem:$0x1FC70];
	v0 =	vadd.f32 v1, v0;
	v1 =	vmul.f32 v34, v31  }
0x293: {  	v58 =	vld [tilespmem:$0x1FC10]  }
0x294: {  	v61 =	vmul.f32 v7, v50;
	v7 =	vld.idx.msk [tilespmem:v62+s15+$0x0], $0xffff;
	v0 =	vadd.f32 v1, v0;
	v1 =	vmul.f32 v39, v35  }
0x295: {  	v22 =	vld [tilespmem:$0x1FCA0]  }
0x296: {  	v50 =	vld [tilespmem:$0x1FC50];
	v0 =	vadd.f32 v1, v0;
	v1 =	vmul.f32 v43, v40  }
0x297: {  	v26 =	vld [tilespmem:$0x1FC80]  }
0x298: {  	v13 =	vmul.f32 v9, v54;
	v54 =	vld [tilespmem:$0x1FC30];
	v0 =	vadd.f32 v1, v0;
	v1 =	vmul.f32 v47, v44  }
0x299: {  	v15 =	vld.idx.msk [tilespmem:v14+s14+$0x0], $0xffff  }
0x29a: {  	v9 =	vld.idx.msk [tilespmem:v14+s15+$0x0], $0xffff;
	v0 =	vadd.f32 v1, v0;
	v1 =	vmul.f32 v51, v48  }
0x29b: {  	v30 =	vld [tilespmem:$0x1FC60]  }
0x29c: {  	v19 =	vld.idx.msk [tilespmem:v18+s14+$0x0], $0xffff;
	v0 =	vadd.f32 v1, v0;
	v1 =	vmul.f32 v56, v52  }
0x29d: {  	v17 =	vmul.f32 v8, v59;
	v8 =	vld.idx.msk [tilespmem:v18+s15+$0x0], $0xffff  }
0x29e: {  	v34 =	vld [tilespmem:$0x1FC40];
	v0 =	vadd.f32 v1, v0;
	v1 =	vmul.f32 v60, v57  }
0x29f: {  	v23 =	vld.idx.msk [tilespmem:v22+s14+$0x0], $0xffff  }
0x2a0: {  	v21 =	vmul.f32 v7, v63;
	v7 =	vld.idx.msk [tilespmem:v22+s15+$0x0], $0xffff;
	v0 =	vadd.f32 v1, v0;
	v1 =	vmul.f32 v12, v61  }
0x2a1: {  	v39 =	vld [tilespmem:$0x1FC20]  }
0x2a2: {  	v27 =	vld.idx.msk [tilespmem:v26+s14+$0x0], $0xffff;
	v0 =	vadd.f32 v1, v0;
	v1 =	vmul.f32 v16, v13  }
0x2a3: {  	v25 =	vmul.f32 v9, v15;
	v9 =	vld.idx.msk [tilespmem:v26+s15+$0x0], $0xffff  }
0x2a4: {  	v43 =	vld [tilespmem:$0x1FC00];
	v0 =	vadd.f32 v1, v0;
	v1 =	vmul.f32 v20, v17  }
0x2a5: {  	v31 =	vld.idx.msk [tilespmem:v30+s14+$0x0], $0xffff  }
0x2a6: {  	v29 =	vmul.f32 v8, v19;
	v8 =	vld.idx.msk [tilespmem:v30+s15+$0x0], $0xffff;
	v0 =	vadd.f32 v1, v0;
	v1 =	vmul.f32 v24, v21  }
0x2a7: {  	v35 =	vld.idx.msk [tilespmem:v34+s14+$0x0], $0xffff  }
0x2a8: {  	v48 =	vld [tilespmem:$0x1FBE0];
	v0 =	vadd.f32 v1, v0;
	v1 =	vmul.f32 v28, v25  }
0x2a9: {  	v33 =	vmul.f32 v7, v23;
	v7 =	vld.idx.msk [tilespmem:v34+s15+$0x0], $0xffff  }
0x2aa: {  	v52 =	vld [tilespmem:$0x1FBD0];
	v0 =	vadd.f32 v1, v0;
	v1 =	vmul.f32 v32, v29  }
0x2ab: {  	v40 =	vld.idx.msk [tilespmem:v39+s14+$0x0], $0xffff  }
0x2ac: {  	v38 =	vmul.f32 v9, v27;
	v9 =	vld.idx.msk [tilespmem:v39+s15+$0x0], $0xffff;
	v0 =	vadd.f32 v1, v0;
	v1 =	vmul.f32 v37, v33  }
0x2ad: {  	v44 =	vld.idx.msk [tilespmem:v43+s14+$0x0], $0xffff  }
0x2ae: {  	v42 =	vmul.f32 v8, v31;
	v8 =	vld.idx.msk [tilespmem:v43+s15+$0x0], $0xffff;
	v0 =	vadd.f32 v1, v0;
	v1 =	vmul.f32 v41, v38  }
0x2af: {  	v45 =	vor.u32 $0x3F, v6;
	v60 =	vld [tilespmem:$0x1FBF0]  }
0x2b0: {  	v47 =	vmul.f32 v7, v35;
	v49 =	vld.idx.msk [tilespmem:v48+s14+$0x0], $0xffff;
	v0 =	vadd.f32 v1, v0;
	v1 =	vmul.f32 v46, v42  }
0x2b1: {  	v7 =	vld.idx.msk [tilespmem:v48+s15+$0x0], $0xffff  }
0x2b2: {  	v51 =	vmul.f32 v9, v40;
	v53 =	vld.idx.msk [tilespmem:v52+s14+$0x0], $0xffff;
	v0 =	vadd.f32 v1, v0;
	v1 =	vmul.f32 v50, v47  }
0x2b3: {  	v9 =	vld.idx.msk [tilespmem:v52+s15+$0x0], $0xffff  }
0x2b4: {  	v56 =	vld.idx.msk [tilespmem:v45+s14+$0x0], $0xffff;
	v5 =	vmul.f32 v8, v44;
	v0 =	vadd.f32 v1, v0;
	v1 =	vmul.f32 v54, v51  }
0x2b5: {  	v57 =	vld.idx.msk [tilespmem:v45+s15+$0x0], $0xffff  }
0x2b6: {  	v3 =	vmul.f32 v7, v49;
	v0 =	vadd.f32 v1, v0;
	v1 =	vmul.f32 v58, v5  }
0x2b7: {  	v59 =	vld.idx.msk [tilespmem:v45+s16+$0x0], $0xffff  }
0x2b8: {  	v61 =	vmul.f32 v9, v53;
	v0 =	vadd.f32 v1, v0;
	v1 =	vmul.f32 v60, v3;
	_ =	sdelay $0x1  }
0x2b9: {  	v2 =	vmul.f32 v57, v56;
	v62 =	vmul.f32 v36, v61;
	v0 =	vadd.f32 v1, v0;
	_ =	sdelay $0x1  }
.Ltmp1:
0x2ba: {  	v63 =	vmul.f32 v59, v2;
	v0 =	vadd.f32 v62, v0;
	(pc) =	sbr.rel @p0 .LBB2_2-.Ltmp1, $4  }
0x2bb: {  	s25 =	sand.u32 $0x80, s23  }
0x2bc: {  	s31 =	sand.u32 $0x70, s23;
	s24 =	sadd.s32 s25, s24;
	v0 =	vadd.f32 v63, v0  }
0x2bd: {  	s23 =	sadd.s32 s31, s24  }
0x2be: {  	p1 =	por $0x0, $0x0;
	s24 =	simm.s32 $0x100;
	[tilespmem:s23+$0x0] =	vst v0  }
0x2bf: {  	s22 =	sadd.s32 $0x1, s22  }
0x2c0: {  	p0 =	sne.s32 s22, s9  }
.Ltmp2:
0x2c1: {  	_ = 	snop;
	(pc) =	sbr.rel @p0 .LBB2_1-.Ltmp2, $4  }
0x2c2: {  	[hbm4b:s8+s1] =	stream.linear.scatter [tilespmem:s21], [sflag:$0x2], $0x200, $0x38;
	[tilespmem:$0x18800] =	vst v63  }
0x2c3: {  	_ =	swait.ge [sflag:s10], $0x200  }
0x2c4: {  	[sflag:s10] =	ssyncset.done $0x0  }
0x2c5: {  	[sflag:s10] =	ssyncadd.s32 $0xFFFFFE00  }
0x2c6: {  	_ =	sfence.sel $0x180000  }
0x2c7: {  	[bflag:$0x0] =	sbarrier.arrive $0xFFFF  }
0x2c8: {  	p0 =	sne.s32 s2, $0x0;
	_ =	strace $0x90000047  }
0x2c9: {  	s0 =	sadd.s32 @!p0 $0x100000, s0;
	[bflag:$0x2] =	sbarrier.arrive $0xFFFF  }
0x2ca: {  	[sflag:s0] =	ssyncadd.tile.s32 @!p0 $0x1;
	_ =	shalt  }
.Lfunc_end2:
_tile_overlayer_lowered:
.L_overlay_start_2:
0x2cb: {  	(tag) =	ssettag $0x2  }
0x2cc: {  	s0 =	rddreg [dreg:$0x0];
	s2 =	stileid.u32  }
0x2cd: {  	s1 =	rddreg [dreg:$0x1];
	p0 =	sne.s32 s2, $0x0  }
0x2ce: {  	s3 =	rddreg [dreg:$0x2];
	[bflag:$0x3] =	sbarrier.arrive $0xFFFF;
	s2 =	simm.s32 @!p0 $0x1C02  }
0x2cf: {  	[timem:s3], [sflag:s2] =	dma.local @!p0 [hbm:s0], s1  }
0x2d0: {  	s0 =	simm.s32 @!p0 $0x2  }
0x2d1: {  	_ =	swait.ge @!p0 [sflag:s0], s1  }
0x2d2: {  	s1 =	ssub.s32 @!p0 $0x0, s1;
	[sflag:s0] =	ssyncset.done @!p0 $0x0  }
0x2d3: {  	[sflag:s0] =	ssyncadd.s32 @!p0 s1  }
0x2d4: {  	[bflag:$0x3] =	sbarrier.arrive $0xFFFF  }
0x2d5: {  	_ =	shalt  }

</sc_bundles>
